<compile_context>
chip_gen: v7x
topology: tpu7x:2x2x1
jax: 0.10.2.dev20260603
libtpu: 0.0.44.dev20260713+nightly
codegen_flags: <defaults>
</compile_context>

<pallas_src>
import jax
import jax.numpy as jnp
from jax import lax
from jax.experimental import pallas as pl
from jax.experimental.pallas import tpu as pltpu
from jax.experimental.pallas import tpu_sc as plsc

VOCAB_ = 100001
D_ = 300
B_ = 4096
L_ = 50
NC_ = 2
NS_ = 16
NW_ = NC_ * NS_
BPW_ = B_ // NW_
LANES_ = 16
SEG_ = 128
VP_ = (VOCAB_ + 7) // 8 * 8
DPAD_ = 304
OSEG_ = D_ * L_ * NW_
TAIL_D_ = 284
TAIL_SKIP_ = 4


def _sc_body(table_hbm, tokens_hbm, out_hbm, idx_v, idx_g, rows_p, rows_q,
             obuf_a, obuf_b, oi_a1, oi_a2, oi_a3, oi_b1, oi_b2, oi_b3,
             sem_g, sem_a, sem_b):
    c = lax.axis_index("c")
    s = lax.axis_index("s")
    wid = s * NC_ + c

    pltpu.sync_copy(tokens_hbm.at[pl.ds(wid * BPW_, BPW_)], idx_v)

    iota = lax.iota(jnp.int32, LANES_)
    iota_x_o = iota * (L_ * NW_)
    tail_mask = iota >= TAIL_SKIP_

    def scatter_cps(obuf, oi1, oi2, oi3, sem):
        return (
            pltpu.make_async_copy(obuf.at[pl.ds(0, SEG_)], out_hbm.at[oi1], sem),
            pltpu.make_async_copy(obuf.at[pl.ds(SEG_, SEG_)], out_hbm.at[oi2], sem),
            pltpu.make_async_copy(obuf.at[pl.ds(2 * SEG_, D_ - 2 * SEG_)], out_hbm.at[oi3], sem),
        )

    def step(l, drain, obuf, oi1, oi2, oi3, sem):
        for j in range(BPW_ // LANES_):
            t = plsc.load_gather(
                idx_v, [iota + j * LANES_, jnp.broadcast_to(l, (LANES_,))])
            idx_g[pl.ds(j * LANES_, LANES_)] = t
        half = BPW_ // 2
        cp_p = pltpu.async_copy(table_hbm.at[idx_g.at[pl.ds(0, half)]], rows_p, sem_g)
        cp_q = pltpu.async_copy(table_hbm.at[idx_g.at[pl.ds(half, half)]], rows_q, sem_g)

        @pl.when(drain)
        def _():
            for cp in scatter_cps(obuf, oi1, oi2, oi3, sem):
                cp.wait()

        obase = l * NW_ + wid
        for cc in range(8):
            oi1[pl.ds(cc * LANES_, LANES_)] = iota_x_o + (cc * LANES_ * L_ * NW_ + obase)
        for cc in range(8, 16):
            oi2[pl.ds((cc - 8) * LANES_, LANES_)] = iota_x_o + (cc * LANES_ * L_ * NW_ + obase)
        for cc, off in ((16, 0), (17, 16)):
            oi3[pl.ds(off, LANES_)] = iota_x_o + (cc * LANES_ * L_ * NW_ + obase)
        oi3[pl.ds(TAIL_D_ - 2 * SEG_, LANES_)] = iota_x_o + (TAIL_D_ * L_ * NW_ + obase)

        def make_t_body(rows_v, col0):
            def t_body(jb, _):
                col = jnp.broadcast_to(jb + col0, (LANES_,))
                for cc in range(18):
                    v = rows_v[jb, pl.ds(cc * LANES_, LANES_)]
                    plsc.store_scatter(obuf, [iota + cc * LANES_, col], v)
                v = rows_v[jb, pl.ds(TAIL_D_, LANES_)]
                plsc.store_scatter(obuf, [iota + TAIL_D_, col], v, mask=tail_mask)
                return 0
            return t_body

        cp_p.wait()
        lax.fori_loop(0, half, make_t_body(rows_p, 0), 0)
        cp_q.wait()
        lax.fori_loop(0, half, make_t_body(rows_q, half), 0)

        for cp in scatter_cps(obuf, oi1, oi2, oi3, sem):
            cp.start()

    def pair_body(i, _):
        step(2 * i, i > 0, obuf_a, oi_a1, oi_a2, oi_a3, sem_a)
        step(2 * i + 1, i > 0, obuf_b, oi_b1, oi_b2, oi_b3, sem_b)
        return 0

    lax.fori_loop(0, L_ // 2, pair_body, 0)
    for cp in scatter_cps(obuf_a, oi_a1, oi_a2, oi_a3, sem_a):
        cp.wait()
    for cp in scatter_cps(obuf_b, oi_b1, oi_b2, oi_b3, sem_b):
        cp.wait()


def kernel(tokens, word_embd_weight):
    tokens = tokens.reshape(B_, L_).astype(jnp.int32)
    tab = jnp.pad(word_embd_weight.T, ((0, DPAD_ - D_), (0, VP_ - VOCAB_))).T
    mesh = plsc.VectorSubcoreMesh(core_axis_name="c", subcore_axis_name="s")
    out = pl.kernel(
        _sc_body,
        out_type=jax.ShapeDtypeStruct((OSEG_, SEG_), jnp.float32),
        mesh=mesh,
        scratch_types=[
            pltpu.VMEM((BPW_, L_), jnp.int32),
            pltpu.VMEM((BPW_,), jnp.int32),
            pltpu.VMEM((BPW_ // 2, DPAD_), jnp.float32),
            pltpu.VMEM((BPW_ // 2, DPAD_), jnp.float32),
            pltpu.VMEM((D_, SEG_), jnp.float32),
            pltpu.VMEM((D_, SEG_), jnp.float32),
            pltpu.VMEM((SEG_,), jnp.int32),
            pltpu.VMEM((SEG_,), jnp.int32),
            pltpu.VMEM((D_ - 2 * SEG_,), jnp.int32),
            pltpu.VMEM((SEG_,), jnp.int32),
            pltpu.VMEM((SEG_,), jnp.int32),
            pltpu.VMEM((D_ - 2 * SEG_,), jnp.int32),
            pltpu.SemaphoreType.DMA,
            pltpu.SemaphoreType.DMA,
            pltpu.SemaphoreType.DMA,
        ],
        compiler_params=pltpu.CompilerParams(
            needs_layout_passes=False, use_tc_tiling_on_sc=False
        ),
        name="embed_gather_transpose",
    )(tab, tokens)
    out = out.reshape(D_, L_, NW_, BPW_)
    return out.transpose(2, 3, 0, 1).reshape(B_, D_, L_, 1)

# --- scband reference (transcript-rebuilt; emitter-appended) ---
"""Pipeline reference for scband-word2-vec-text-model-8993661518067 (READ-ONLY COPY).

The authoritative reference and input builder live on the scoring server;
editing this copy changes nothing except your own understanding.
"""

import jax, jax.numpy as jnp
import numpy as np

VOCAB = 100001
EMBED_DIM = 300
BATCH = 4096
SEQ_LEN = 50

def setup_inputs(seed: int = 0) -> dict:
    key = jax.random.key(seed)
    k_tok, k_tab = jax.random.split(key)
    tokens = jax.random.randint(k_tok, (BATCH, SEQ_LEN), 0, VOCAB, dtype=jnp.int64 if jax.config.jax_enable_x64 else jnp.int32)
    word_embd_weight = jax.random.normal(k_tab, (VOCAB, EMBED_DIM), dtype=jnp.float32)
    return {"tokens": tokens, "word_embd_weight": word_embd_weight}

def reference(tokens, word_embd_weight):
    # Faithful translation of Word2VecTextModel.forward after tokenization:
    # txt_feat = self.word_embd(tokens_padded)              -> [B, L, 300]
    # txt_feat = txt_feat.permute([0, 2, 1])[..., None]     -> [B, 300, L, 1]
    txt_feat = jnp.take(word_embd_weight, tokens, axis=0)
    txt_feat = jnp.transpose(txt_feat, (0, 2, 1))[..., None]
    return txt_feat

if __name__ == "__main__":
    import jax
    _d = setup_inputs()
    print(jax.jit(kernel)(*tuple(_d.values())))

</pallas_src>

<mosaic_0001>
#map = affine_map<(d0, d1) -> (0, 0)>
module attributes {stable_mosaic.version = 14 : i64} {
  func.func @embed_gather_transpose(%arg0: i32, %arg1: i32, %arg2: memref<100008x304xf32, #tpu.memory_space<hbm>>, %arg3: memref<4096x50xi32, #tpu.memory_space<hbm>>, %arg4: memref<480000x128xf32, #tpu.memory_space<hbm>>, %arg5: memref<128x50xi32, #tpu.memory_space<vmem>>, %arg6: memref<128xi32, #tpu.memory_space<vmem>>, %arg7: memref<64x304xf32, #tpu.memory_space<vmem>>, %arg8: memref<64x304xf32, #tpu.memory_space<vmem>>, %arg9: memref<300x128xf32, #tpu.memory_space<vmem>>, %arg10: memref<300x128xf32, #tpu.memory_space<vmem>>, %arg11: memref<128xi32, #tpu.memory_space<vmem>>, %arg12: memref<128xi32, #tpu.memory_space<vmem>>, %arg13: memref<44xi32, #tpu.memory_space<vmem>>, %arg14: memref<128xi32, #tpu.memory_space<vmem>>, %arg15: memref<128xi32, #tpu.memory_space<vmem>>, %arg16: memref<44xi32, #tpu.memory_space<vmem>>, %arg17: memref<!tpu.dma_semaphore, #tpu.memory_space<semaphore_mem>>, %arg18: memref<!tpu.dma_semaphore, #tpu.memory_space<semaphore_mem>>, %arg19: memref<!tpu.dma_semaphore, #tpu.memory_space<semaphore_mem>>) attributes {dimension_semantics = [#tpu.dimension_semantics<core_parallel>, #tpu.dimension_semantics<subcore_parallel>], iteration_bounds = array<i64: 2, 16>, scalar_prefetch = 0 : i64, scratch_operands = 15 : i64, tpu.core_type = #tpu.core_type<sc_vector_subcore>, window_params = [{transform_indices = #map}, {transform_indices = #map}, {transform_indices = #map}]} {
    %mul3A = arith.constant 2 : i32
    %mul3A_0 = arith.muli %arg1, %mul3A : i32
    %add3A = arith.addi %mul3A_0, %arg0 : i32
    %mul3A_1 = arith.constant 128 : i32
    %mul3A_2 = arith.muli %add3A, %mul3A_1 : i32
    "tpu.region"() ({
      %run_scoped3A = tpu.sem_alloc : memref<!tpu.dma_semaphore, #tpu.memory_space<semaphore_mem>>
      %dma_start3A = arith.constant 0 : i32
      %dma_start3A_49 = tpu.memref_slice %arg3[%mul3A_2, %dma_start3A] : memref<4096x50xi32, #tpu.memory_space<hbm>> -> memref<128x50xi32, #tpu.memory_space<hbm>>
      %dma_start3A_50 = arith.constant 0 : i32
      %dma_start3A_51 = tpu.memref_slice %arg3[%mul3A_2, %dma_start3A_50] : memref<4096x50xi32, #tpu.memory_space<hbm>> -> memref<128x50xi32, #tpu.memory_space<hbm>>
      tpu.enqueue_dma source(%dma_start3A_51 : memref<128x50xi32, #tpu.memory_space<hbm>>) target(%arg5 : memref<128x50xi32, #tpu.memory_space<vmem>>) target_semaphore(%run_scoped3A : memref<!tpu.dma_semaphore, #tpu.memory_space<semaphore_mem>>)
      %dma_wait3A_52 = arith.constant 0 : i32
      %dma_wait3A_53 = tpu.memref_slice %arg3[%mul3A_2, %dma_wait3A_52] : memref<4096x50xi32, #tpu.memory_space<hbm>> -> memref<128x50xi32, #tpu.memory_space<hbm>>
      %dma_wait3A_54 = arith.constant 0 : i32
      %dma_wait3A_55 = tpu.memref_slice %arg3[%mul3A_2, %dma_wait3A_54] : memref<4096x50xi32, #tpu.memory_space<hbm>> -> memref<128x50xi32, #tpu.memory_space<hbm>>
      tpu.wait_dma2 semaphore(%run_scoped3A : memref<!tpu.dma_semaphore, #tpu.memory_space<semaphore_mem>>) src(%dma_wait3A_55 : memref<128x50xi32, #tpu.memory_space<hbm>>) dst(%arg5 : memref<128x50xi32, #tpu.memory_space<vmem>>)
      tpu.yield
    }) : () -> ()
    %iota3A = tpu.iota {dimensions = array<i32: 0>} : vector<16xi32>
    %mul3A_3 = arith.constant 1600 : i32
    %mul3A_4 = vector.broadcast %mul3A_3 : i32 to vector<16xi32>
    %mul3A_5 = arith.muli %iota3A, %mul3A_4 : vector<16xi32>
    %ge3A = arith.constant 4 : i32
    %ge3A_6 = vector.broadcast %ge3A : i32 to vector<16xi32>
    %ge3A_7 = arith.cmpi sge, %iota3A, %ge3A_6 : vector<16xi32>
    %scan3A = arith.constant 0 : i32
    %scan3A_8 = arith.constant 0 : i32
    %scan3A_9 = arith.constant 25 : i32
    %scan3A_10 = arith.addi %scan3A_8, %scan3A_9 : i32
    %scan3A_11 = arith.constant 1 : i32
    %scan3A_12 = scf.for %scan3A_49 = %scan3A_8 to %scan3A_10 step %scan3A_11 iter_args(%scan3A_50 = %scan3A) -> (i32)  : i32 {
      %mul3A_51 = arith.constant 2 : i32
      %mul3A_52 = arith.muli %mul3A_51, %scan3A_49 : i32
      %gt3A = arith.constant 0 : i32
      %gt3A_53 = arith.cmpi sgt, %scan3A_49, %gt3A : i32
      %add3A_54 = arith.constant 0 : i32
      %add3A_55 = vector.broadcast %add3A_54 : i32 to vector<16xi32>
      %add3A_56 = arith.addi %iota3A, %add3A_55 : vector<16xi32>
      %broadcast_in_dim3A = vector.broadcast %mul3A_52 : i32 to vector<16xi32>
      %gather3A = tpu.vector_load_idx %arg5[%add3A_56, %broadcast_in_dim3A] : memref<128x50xi32, #tpu.memory_space<vmem>>[vector<16xi32>, vector<16xi32>], vector<16xi32>,
      %swap3A = arith.constant 0 : index
      %swap3A_57 = tpu.vector_load %arg6[%swap3A] {strides = array<i32>} : memref<128xi32, #tpu.memory_space<vmem>>, vector<16xi32>,
      tpu.vector_store %arg6[%swap3A], %gather3A {strides = array<i32>} : memref<128xi32, #tpu.memory_space<vmem>>, vector<16xi32>,
      %add3A_58 = arith.constant 16 : i32
      %add3A_59 = vector.broadcast %add3A_58 : i32 to vector<16xi32>
      %add3A_60 = arith.addi %iota3A, %add3A_59 : vector<16xi32>
      %broadcast_in_dim3A_61 = vector.broadcast %mul3A_52 : i32 to vector<16xi32>
      %gather3A_62 = tpu.vector_load_idx %arg5[%add3A_60, %broadcast_in_dim3A_61] : memref<128x50xi32, #tpu.memory_space<vmem>>[vector<16xi32>, vector<16xi32>], vector<16xi32>,
      %swap3A_63 = arith.constant 16 : index
      %swap3A_64 = tpu.vector_load %arg6[%swap3A_63] {strides = array<i32>} : memref<128xi32, #tpu.memory_space<vmem>>, vector<16xi32>,
      tpu.vector_store %arg6[%swap3A_63], %gather3A_62 {strides = array<i32>} : memref<128xi32, #tpu.memory_space<vmem>>, vector<16xi32>,
      %add3A_65 = arith.constant 32 : i32
      %add3A_66 = vector.broadcast %add3A_65 : i32 to vector<16xi32>
      %add3A_67 = arith.addi %iota3A, %add3A_66 : vector<16xi32>
      %broadcast_in_dim3A_68 = vector.broadcast %mul3A_52 : i32 to vector<16xi32>
      %gather3A_69 = tpu.vector_load_idx %arg5[%add3A_67, %broadcast_in_dim3A_68] : memref<128x50xi32, #tpu.memory_space<vmem>>[vector<16xi32>, vector<16xi32>], vector<16xi32>,
      %swap3A_70 = arith.constant 32 : index
      %swap3A_71 = tpu.vector_load %arg6[%swap3A_70] {strides = array<i32>} : memref<128xi32, #tpu.memory_space<vmem>>, vector<16xi32>,
      tpu.vector_store %arg6[%swap3A_70], %gather3A_69 {strides = array<i32>} : memref<128xi32, #tpu.memory_space<vmem>>, vector<16xi32>,
      %add3A_72 = arith.constant 48 : i32
      %add3A_73 = vector.broadcast %add3A_72 : i32 to vector<16xi32>
      %add3A_74 = arith.addi %iota3A, %add3A_73 : vector<16xi32>
      %broadcast_in_dim3A_75 = vector.broadcast %mul3A_52 : i32 to vector<16xi32>
      %gather3A_76 = tpu.vector_load_idx %arg5[%add3A_74, %broadcast_in_dim3A_75] : memref<128x50xi32, #tpu.memory_space<vmem>>[vector<16xi32>, vector<16xi32>], vector<16xi32>,
      %swap3A_77 = arith.constant 48 : index
      %swap3A_78 = tpu.vector_load %arg6[%swap3A_77] {strides = array<i32>} : memref<128xi32, #tpu.memory_space<vmem>>, vector<16xi32>,
      tpu.vector_store %arg6[%swap3A_77], %gather3A_76 {strides = array<i32>} : memref<128xi32, #tpu.memory_space<vmem>>, vector<16xi32>,
      %add3A_79 = arith.constant 64 : i32
      %add3A_80 = vector.broadcast %add3A_79 : i32 to vector<16xi32>
      %add3A_81 = arith.addi %iota3A, %add3A_80 : vector<16xi32>
      %broadcast_in_dim3A_82 = vector.broadcast %mul3A_52 : i32 to vector<16xi32>
      %gather3A_83 = tpu.vector_load_idx %arg5[%add3A_81, %broadcast_in_dim3A_82] : memref<128x50xi32, #tpu.memory_space<vmem>>[vector<16xi32>, vector<16xi32>], vector<16xi32>,
      %swap3A_84 = arith.constant 64 : index
      %swap3A_85 = tpu.vector_load %arg6[%swap3A_84] {strides = array<i32>} : memref<128xi32, #tpu.memory_space<vmem>>, vector<16xi32>,
      tpu.vector_store %arg6[%swap3A_84], %gather3A_83 {strides = array<i32>} : memref<128xi32, #tpu.memory_space<vmem>>, vector<16xi32>,
      %add3A_86 = arith.constant 80 : i32
      %add3A_87 = vector.broadcast %add3A_86 : i32 to vector<16xi32>
      %add3A_88 = arith.addi %iota3A, %add3A_87 : vector<16xi32>
      %broadcast_in_dim3A_89 = vector.broadcast %mul3A_52 : i32 to vector<16xi32>
      %gather3A_90 = tpu.vector_load_idx %arg5[%add3A_88, %broadcast_in_dim3A_89] : memref<128x50xi32, #tpu.memory_space<vmem>>[vector<16xi32>, vector<16xi32>], vector<16xi32>,
      %swap3A_91 = arith.constant 80 : index
      %swap3A_92 = tpu.vector_load %arg6[%swap3A_91] {strides = array<i32>} : memref<128xi32, #tpu.memory_space<vmem>>, vector<16xi32>,
      tpu.vector_store %arg6[%swap3A_91], %gather3A_90 {strides = array<i32>} : memref<128xi32, #tpu.memory_space<vmem>>, vector<16xi32>,
      %add3A_93 = arith.constant 96 : i32
      %add3A_94 = vector.broadcast %add3A_93 : i32 to vector<16xi32>
      %add3A_95 = arith.addi %iota3A, %add3A_94 : vector<16xi32>
      %broadcast_in_dim3A_96 = vector.broadcast %mul3A_52 : i32 to vector<16xi32>
      %gather3A_97 = tpu.vector_load_idx %arg5[%add3A_95, %broadcast_in_dim3A_96] : memref<128x50xi32, #tpu.memory_space<vmem>>[vector<16xi32>, vector<16xi32>], vector<16xi32>,
      %swap3A_98 = arith.constant 96 : index
      %swap3A_99 = tpu.vector_load %arg6[%swap3A_98] {strides = array<i32>} : memref<128xi32, #tpu.memory_space<vmem>>, vector<16xi32>,
      tpu.vector_store %arg6[%swap3A_98], %gather3A_97 {strides = array<i32>} : memref<128xi32, #tpu.memory_space<vmem>>, vector<16xi32>,
      %add3A_100 = arith.constant 112 : i32
      %add3A_101 = vector.broadcast %add3A_100 : i32 to vector<16xi32>
      %add3A_102 = arith.addi %iota3A, %add3A_101 : vector<16xi32>
      %broadcast_in_dim3A_103 = vector.broadcast %mul3A_52 : i32 to vector<16xi32>
      %gather3A_104 = tpu.vector_load_idx %arg5[%add3A_102, %broadcast_in_dim3A_103] : memref<128x50xi32, #tpu.memory_space<vmem>>[vector<16xi32>, vector<16xi32>], vector<16xi32>,
      %swap3A_105 = arith.constant 112 : index
      %swap3A_106 = tpu.vector_load %arg6[%swap3A_105] {strides = array<i32>} : memref<128xi32, #tpu.memory_space<vmem>>, vector<16xi32>,
      tpu.vector_store %arg6[%swap3A_105], %gather3A_104 {strides = array<i32>} : memref<128xi32, #tpu.memory_space<vmem>>, vector<16xi32>,
      %dma_start3A = arith.constant 0 : i32
      %dma_start3A_107 = tpu.memref_slice %arg6[%dma_start3A] : memref<128xi32, #tpu.memory_space<vmem>> -> memref<64xi32, #tpu.memory_space<vmem>>
      %dma_start3A_108 = arith.constant 0 : i32
      %dma_start3A_109 = arith.constant 0 : i32
      %dma_start3A_110 = tpu.memref_slice %arg2[%dma_start3A_108, %dma_start3A_109] : memref<100008x304xf32, #tpu.memory_space<hbm>> -> memref<100008x304xf32, #tpu.memory_space<hbm>>
      tpu.enqueue_indirect_dma source(%dma_start3A_110 : memref<100008x304xf32, #tpu.memory_space<hbm>>) target(%arg7 : memref<64x304xf32, #tpu.memory_space<vmem>>) offsets(%dma_start3A_107 : memref<64xi32, #tpu.memory_space<vmem>>) semaphore(%arg17 : memref<!tpu.dma_semaphore, #tpu.memory_space<semaphore_mem>>)
      %dma_start3A_111 = arith.constant 64 : i32
      %dma_start3A_112 = tpu.memref_slice %arg6[%dma_start3A_111] : memref<128xi32, #tpu.memory_space<vmem>> -> memref<64xi32, #tpu.memory_space<vmem>>
      %dma_start3A_113 = arith.constant 0 : i32
      %dma_start3A_114 = arith.constant 0 : i32
      %dma_start3A_115 = tpu.memref_slice %arg2[%dma_start3A_113, %dma_start3A_114] : memref<100008x304xf32, #tpu.memory_space<hbm>> -> memref<100008x304xf32, #tpu.memory_space<hbm>>
      tpu.enqueue_indirect_dma source(%dma_start3A_115 : memref<100008x304xf32, #tpu.memory_space<hbm>>) target(%arg8 : memref<64x304xf32, #tpu.memory_space<vmem>>) offsets(%dma_start3A_112 : memref<64xi32, #tpu.memory_space<vmem>>) semaphore(%arg17 : memref<!tpu.dma_semaphore, #tpu.memory_space<semaphore_mem>>)
      %convert_element_type3A = arith.extui %gt3A_53 : i1 to i32
      %cond3A = arith.constant 0 : i32
      %cond3A_116 = arith.cmpi ne, %convert_element_type3A, %cond3A : i32
      scf.if %cond3A_116 {
        %dma_wait3A_511 = arith.constant 0 : i32
        %dma_wait3A_512 = arith.constant 0 : i32
        %dma_wait3A_513 = tpu.memref_slice %arg9[%dma_wait3A_511, %dma_wait3A_512] : memref<300x128xf32, #tpu.memory_space<vmem>> -> memref<128x128xf32, #tpu.memory_space<vmem>>
        %dma_wait3A_514 = arith.constant 0 : i32
        %dma_wait3A_515 = arith.constant 0 : i32
        %dma_wait3A_516 = tpu.memref_slice %arg4[%dma_wait3A_514, %dma_wait3A_515] : memref<480000x128xf32, #tpu.memory_space<hbm>> -> memref<480000x128xf32, #tpu.memory_space<hbm>>
        tpu.wait_indirect_dma semaphore(%arg18 : memref<!tpu.dma_semaphore, #tpu.memory_space<semaphore_mem>>) src(%dma_wait3A_513 : memref<128x128xf32, #tpu.memory_space<vmem>>) dst(%dma_wait3A_516 : memref<480000x128xf32, #tpu.memory_space<hbm>>)
        %dma_wait3A_517 = arith.constant 128 : i32
        %dma_wait3A_518 = arith.constant 0 : i32
        %dma_wait3A_519 = tpu.memref_slice %arg9[%dma_wait3A_517, %dma_wait3A_518] : memref<300x128xf32, #tpu.memory_space<vmem>> -> memref<128x128xf32, #tpu.memory_space<vmem>>
        %dma_wait3A_520 = arith.constant 0 : i32
        %dma_wait3A_521 = arith.constant 0 : i32
        %dma_wait3A_522 = tpu.memref_slice %arg4[%dma_wait3A_520, %dma_wait3A_521] : memref<480000x128xf32, #tpu.memory_space<hbm>> -> memref<480000x128xf32, #tpu.memory_space<hbm>>
        tpu.wait_indirect_dma semaphore(%arg18 : memref<!tpu.dma_semaphore, #tpu.memory_space<semaphore_mem>>) src(%dma_wait3A_519 : memref<128x128xf32, #tpu.memory_space<vmem>>) dst(%dma_wait3A_522 : memref<480000x128xf32, #tpu.memory_space<hbm>>)
        %dma_wait3A_523 = arith.constant 256 : i32
        %dma_wait3A_524 = arith.constant 0 : i32
        %dma_wait3A_525 = tpu.memref_slice %arg9[%dma_wait3A_523, %dma_wait3A_524] : memref<300x128xf32, #tpu.memory_space<vmem>> -> memref<44x128xf32, #tpu.memory_space<vmem>>
        %dma_wait3A_526 = arith.constant 0 : i32
        %dma_wait3A_527 = arith.constant 0 : i32
        %dma_wait3A_528 = tpu.memref_slice %arg4[%dma_wait3A_526, %dma_wait3A_527] : memref<480000x128xf32, #tpu.memory_space<hbm>> -> memref<480000x128xf32, #tpu.memory_space<hbm>>
        tpu.wait_indirect_dma semaphore(%arg18 : memref<!tpu.dma_semaphore, #tpu.memory_space<semaphore_mem>>) src(%dma_wait3A_525 : memref<44x128xf32, #tpu.memory_space<vmem>>) dst(%dma_wait3A_528 : memref<480000x128xf32, #tpu.memory_space<hbm>>)
      } else {
      }
      %mul3A_117 = arith.constant 32 : i32
      %mul3A_118 = arith.muli %mul3A_52, %mul3A_117 : i32
      %add3A_119 = arith.addi %mul3A_118, %add3A : i32
      %add3A_120 = arith.constant 0 : i32
      %add3A_121 = arith.addi %add3A_120, %add3A_119 : i32
      %add3A_122 = vector.broadcast %add3A_121 : i32 to vector<16xi32>
      %add3A_123 = arith.addi %mul3A_5, %add3A_122 : vector<16xi32>
      %swap3A_124 = arith.constant 0 : index
      %swap3A_125 = tpu.vector_load %arg11[%swap3A_124] {strides = array<i32>} : memref<128xi32, #tpu.memory_space<vmem>>, vector<16xi32>,
      tpu.vector_store %arg11[%swap3A_124], %add3A_123 {strides = array<i32>} : memref<128xi32, #tpu.memory_space<vmem>>, vector<16xi32>,
      %add3A_126 = arith.constant 25600 : i32
      %add3A_127 = arith.addi %add3A_126, %add3A_119 : i32
      %add3A_128 = vector.broadcast %add3A_127 : i32 to vector<16xi32>
      %add3A_129 = arith.addi %mul3A_5, %add3A_128 : vector<16xi32>
      %swap3A_130 = arith.constant 16 : index
      %swap3A_131 = tpu.vector_load %arg11[%swap3A_130] {strides = array<i32>} : memref<128xi32, #tpu.memory_space<vmem>>, vector<16xi32>,
      tpu.vector_store %arg11[%swap3A_130], %add3A_129 {strides = array<i32>} : memref<128xi32, #tpu.memory_space<vmem>>, vector<16xi32>,
      %add3A_132 = arith.constant 51200 : i32
      %add3A_133 = arith.addi %add3A_132, %add3A_119 : i32
      %add3A_134 = vector.broadcast %add3A_133 : i32 to vector<16xi32>
      %add3A_135 = arith.addi %mul3A_5, %add3A_134 : vector<16xi32>
      %swap3A_136 = arith.constant 32 : index
      %swap3A_137 = tpu.vector_load %arg11[%swap3A_136] {strides = array<i32>} : memref<128xi32, #tpu.memory_space<vmem>>, vector<16xi32>,
      tpu.vector_store %arg11[%swap3A_136], %add3A_135 {strides = array<i32>} : memref<128xi32, #tpu.memory_space<vmem>>, vector<16xi32>,
      %add3A_138 = arith.constant 76800 : i32
      %add3A_139 = arith.addi %add3A_138, %add3A_119 : i32
      %add3A_140 = vector.broadcast %add3A_139 : i32 to vector<16xi32>
      %add3A_141 = arith.addi %mul3A_5, %add3A_140 : vector<16xi32>
      %swap3A_142 = arith.constant 48 : index
      %swap3A_143 = tpu.vector_load %arg11[%swap3A_142] {strides = array<i32>} : memref<128xi32, #tpu.memory_space<vmem>>, vector<16xi32>,
      tpu.vector_store %arg11[%swap3A_142], %add3A_141 {strides = array<i32>} : memref<128xi32, #tpu.memory_space<vmem>>, vector<16xi32>,
      %add3A_144 = arith.constant 102400 : i32
      %add3A_145 = arith.addi %add3A_144, %add3A_119 : i32
      %add3A_146 = vector.broadcast %add3A_145 : i32 to vector<16xi32>
      %add3A_147 = arith.addi %mul3A_5, %add3A_146 : vector<16xi32>
      %swap3A_148 = arith.constant 64 : index
      %swap3A_149 = tpu.vector_load %arg11[%swap3A_148] {strides = array<i32>} : memref<128xi32, #tpu.memory_space<vmem>>, vector<16xi32>,
      tpu.vector_store %arg11[%swap3A_148], %add3A_147 {strides = array<i32>} : memref<128xi32, #tpu.memory_space<vmem>>, vector<16xi32>,
      %add3A_150 = arith.constant 128000 : i32
      %add3A_151 = arith.addi %add3A_150, %add3A_119 : i32
      %add3A_152 = vector.broadcast %add3A_151 : i32 to vector<16xi32>
      %add3A_153 = arith.addi %mul3A_5, %add3A_152 : vector<16xi32>
      %swap3A_154 = arith.constant 80 : index
      %swap3A_155 = tpu.vector_load %arg11[%swap3A_154] {strides = array<i32>} : memref<128xi32, #tpu.memory_space<vmem>>, vector<16xi32>,
      tpu.vector_store %arg11[%swap3A_154], %add3A_153 {strides = array<i32>} : memref<128xi32, #tpu.memory_space<vmem>>, vector<16xi32>,
      %add3A_156 = arith.constant 153600 : i32
      %add3A_157 = arith.addi %add3A_156, %add3A_119 : i32
      %add3A_158 = vector.broadcast %add3A_157 : i32 to vector<16xi32>
      %add3A_159 = arith.addi %mul3A_5, %add3A_158 : vector<16xi32>
      %swap3A_160 = arith.constant 96 : index
      %swap3A_161 = tpu.vector_load %arg11[%swap3A_160] {strides = array<i32>} : memref<128xi32, #tpu.memory_space<vmem>>, vector<16xi32>,
      tpu.vector_store %arg11[%swap3A_160], %add3A_159 {strides = array<i32>} : memref<128xi32, #tpu.memory_space<vmem>>, vector<16xi32>,
      %add3A_162 = arith.constant 179200 : i32
      %add3A_163 = arith.addi %add3A_162, %add3A_119 : i32
      %add3A_164 = vector.broadcast %add3A_163 : i32 to vector<16xi32>
      %add3A_165 = arith.addi %mul3A_5, %add3A_164 : vector<16xi32>
      %swap3A_166 = arith.constant 112 : index
      %swap3A_167 = tpu.vector_load %arg11[%swap3A_166] {strides = array<i32>} : memref<128xi32, #tpu.memory_space<vmem>>, vector<16xi32>,
      tpu.vector_store %arg11[%swap3A_166], %add3A_165 {strides = array<i32>} : memref<128xi32, #tpu.memory_space<vmem>>, vector<16xi32>,
      %add3A_168 = arith.constant 204800 : i32
      %add3A_169 = arith.addi %add3A_168, %add3A_119 : i32
      %add3A_170 = vector.broadcast %add3A_169 : i32 to vector<16xi32>
      %add3A_171 = arith.addi %mul3A_5, %add3A_170 : vector<16xi32>
      %swap3A_172 = arith.constant 0 : index
      %swap3A_173 = tpu.vector_load %arg12[%swap3A_172] {strides = array<i32>} : memref<128xi32, #tpu.memory_space<vmem>>, vector<16xi32>,
      tpu.vector_store %arg12[%swap3A_172], %add3A_171 {strides = array<i32>} : memref<128xi32, #tpu.memory_space<vmem>>, vector<16xi32>,
      %add3A_174 = arith.constant 230400 : i32
      %add3A_175 = arith.addi %add3A_174, %add3A_119 : i32
      %add3A_176 = vector.broadcast %add3A_175 : i32 to vector<16xi32>
      %add3A_177 = arith.addi %mul3A_5, %add3A_176 : vector<16xi32>
      %swap3A_178 = arith.constant 16 : index
      %swap3A_179 = tpu.vector_load %arg12[%swap3A_178] {strides = array<i32>} : memref<128xi32, #tpu.memory_space<vmem>>, vector<16xi32>,
      tpu.vector_store %arg12[%swap3A_178], %add3A_177 {strides = array<i32>} : memref<128xi32, #tpu.memory_space<vmem>>, vector<16xi32>,
      %add3A_180 = arith.constant 256000 : i32
      %add3A_181 = arith.addi %add3A_180, %add3A_119 : i32
      %add3A_182 = vector.broadcast %add3A_181 : i32 to vector<16xi32>
      %add3A_183 = arith.addi %mul3A_5, %add3A_182 : vector<16xi32>
      %swap3A_184 = arith.constant 32 : index
      %swap3A_185 = tpu.vector_load %arg12[%swap3A_184] {strides = array<i32>} : memref<128xi32, #tpu.memory_space<vmem>>, vector<16xi32>,
      tpu.vector_store %arg12[%swap3A_184], %add3A_183 {strides = array<i32>} : memref<128xi32, #tpu.memory_space<vmem>>, vector<16xi32>,
      %add3A_186 = arith.constant 281600 : i32
      %add3A_187 = arith.addi %add3A_186, %add3A_119 : i32
      %add3A_188 = vector.broadcast %add3A_187 : i32 to vector<16xi32>
      %add3A_189 = arith.addi %mul3A_5, %add3A_188 : vector<16xi32>
      %swap3A_190 = arith.constant 48 : index
      %swap3A_191 = tpu.vector_load %arg12[%swap3A_190] {strides = array<i32>} : memref<128xi32, #tpu.memory_space<vmem>>, vector<16xi32>,
      tpu.vector_store %arg12[%swap3A_190], %add3A_189 {strides = array<i32>} : memref<128xi32, #tpu.memory_space<vmem>>, vector<16xi32>,
      %add3A_192 = arith.constant 307200 : i32
      %add3A_193 = arith.addi %add3A_192, %add3A_119 : i32
      %add3A_194 = vector.broadcast %add3A_193 : i32 to vector<16xi32>
      %add3A_195 = arith.addi %mul3A_5, %add3A_194 : vector<16xi32>
      %swap3A_196 = arith.constant 64 : index
      %swap3A_197 = tpu.vector_load %arg12[%swap3A_196] {strides = array<i32>} : memref<128xi32, #tpu.memory_space<vmem>>, vector<16xi32>,
      tpu.vector_store %arg12[%swap3A_196], %add3A_195 {strides = array<i32>} : memref<128xi32, #tpu.memory_space<vmem>>, vector<16xi32>,
      %add3A_198 = arith.constant 332800 : i32
      %add3A_199 = arith.addi %add3A_198, %add3A_119 : i32
      %add3A_200 = vector.broadcast %add3A_199 : i32 to vector<16xi32>
      %add3A_201 = arith.addi %mul3A_5, %add3A_200 : vector<16xi32>
      %swap3A_202 = arith.constant 80 : index
      %swap3A_203 = tpu.vector_load %arg12[%swap3A_202] {strides = array<i32>} : memref<128xi32, #tpu.memory_space<vmem>>, vector<16xi32>,
      tpu.vector_store %arg12[%swap3A_202], %add3A_201 {strides = array<i32>} : memref<128xi32, #tpu.memory_space<vmem>>, vector<16xi32>,
      %add3A_204 = arith.constant 358400 : i32
      %add3A_205 = arith.addi %add3A_204, %add3A_119 : i32
      %add3A_206 = vector.broadcast %add3A_205 : i32 to vector<16xi32>
      %add3A_207 = arith.addi %mul3A_5, %add3A_206 : vector<16xi32>
      %swap3A_208 = arith.constant 96 : index
      %swap3A_209 = tpu.vector_load %arg12[%swap3A_208] {strides = array<i32>} : memref<128xi32, #tpu.memory_space<vmem>>, vector<16xi32>,
      tpu.vector_store %arg12[%swap3A_208], %add3A_207 {strides = array<i32>} : memref<128xi32, #tpu.memory_space<vmem>>, vector<16xi32>,
      %add3A_210 = arith.constant 384000 : i32
      %add3A_211 = arith.addi %add3A_210, %add3A_119 : i32
      %add3A_212 = vector.broadcast %add3A_211 : i32 to vector<16xi32>
      %add3A_213 = arith.addi %mul3A_5, %add3A_212 : vector<16xi32>
      %swap3A_214 = arith.constant 112 : index
      %swap3A_215 = tpu.vector_load %arg12[%swap3A_214] {strides = array<i32>} : memref<128xi32, #tpu.memory_space<vmem>>, vector<16xi32>,
      tpu.vector_store %arg12[%swap3A_214], %add3A_213 {strides = array<i32>} : memref<128xi32, #tpu.memory_space<vmem>>, vector<16xi32>,
      %add3A_216 = arith.constant 409600 : i32
      %add3A_217 = arith.addi %add3A_216, %add3A_119 : i32
      %add3A_218 = vector.broadcast %add3A_217 : i32 to vector<16xi32>
      %add3A_219 = arith.addi %mul3A_5, %add3A_218 : vector<16xi32>
      %swap3A_220 = arith.constant 0 : index
      %swap3A_221 = tpu.vector_load %arg13[%swap3A_220] {strides = array<i32>} : memref<44xi32, #tpu.memory_space<vmem>>, vector<16xi32>,
      tpu.vector_store %arg13[%swap3A_220], %add3A_219 {strides = array<i32>} : memref<44xi32, #tpu.memory_space<vmem>>, vector<16xi32>,
      %add3A_222 = arith.constant 435200 : i32
      %add3A_223 = arith.addi %add3A_222, %add3A_119 : i32
      %add3A_224 = vector.broadcast %add3A_223 : i32 to vector<16xi32>
      %add3A_225 = arith.addi %mul3A_5, %add3A_224 : vector<16xi32>
      %swap3A_226 = arith.constant 16 : index
      %swap3A_227 = tpu.vector_load %arg13[%swap3A_226] {strides = array<i32>} : memref<44xi32, #tpu.memory_space<vmem>>, vector<16xi32>,
      tpu.vector_store %arg13[%swap3A_226], %add3A_225 {strides = array<i32>} : memref<44xi32, #tpu.memory_space<vmem>>, vector<16xi32>,
      %add3A_228 = arith.constant 454400 : i32
      %add3A_229 = arith.addi %add3A_228, %add3A_119 : i32
      %add3A_230 = vector.broadcast %add3A_229 : i32 to vector<16xi32>
      %add3A_231 = arith.addi %mul3A_5, %add3A_230 : vector<16xi32>
      %swap3A_232 = arith.constant 28 : index
      %swap3A_233 = tpu.vector_load %arg13[%swap3A_232] {strides = array<i32>} : memref<44xi32, #tpu.memory_space<vmem>>, vector<16xi32>,
      tpu.vector_store %arg13[%swap3A_232], %add3A_231 {strides = array<i32>} : memref<44xi32, #tpu.memory_space<vmem>>, vector<16xi32>,
      %dma_wait3A_234 = arith.constant 0 : i32
      %dma_wait3A_235 = tpu.memref_slice %arg6[%dma_wait3A_234] : memref<128xi32, #tpu.memory_space<vmem>> -> memref<64xi32, #tpu.memory_space<vmem>>
      %dma_wait3A_236 = arith.constant 0 : i32
      %dma_wait3A_237 = arith.constant 0 : i32
      %dma_wait3A_238 = tpu.memref_slice %arg2[%dma_wait3A_236, %dma_wait3A_237] : memref<100008x304xf32, #tpu.memory_space<hbm>> -> memref<100008x304xf32, #tpu.memory_space<hbm>>
      tpu.wait_indirect_dma semaphore(%arg17 : memref<!tpu.dma_semaphore, #tpu.memory_space<semaphore_mem>>) src(%dma_wait3A_238 : memref<100008x304xf32, #tpu.memory_space<hbm>>) dst(%arg7 : memref<64x304xf32, #tpu.memory_space<vmem>>)
      %scan3A_239 = arith.constant 0 : i32
      %scan3A_240 = arith.constant 0 : i32
      %scan3A_241 = arith.constant 64 : i32
      %scan3A_242 = arith.addi %scan3A_240, %scan3A_241 : i32
      %scan3A_243 = arith.constant 1 : i32
      %scan3A_244 = scf.for %scan3A_511 = %scan3A_240 to %scan3A_242 step %scan3A_243 iter_args(%scan3A_512 = %scan3A_239) -> (i32)  : i32 {
        %add3A_513 = arith.constant 0 : i32
        %add3A_514 = arith.addi %scan3A_511, %add3A_513 : i32
        %broadcast_in_dim3A_515 = vector.broadcast %add3A_514 : i32 to vector<16xi32>
        %get3A = arith.index_cast %scan3A_511 : i32 to index
        %get3A_516 = arith.constant 0 : index
        %get3A_517 = tpu.vector_load %arg7[%get3A, %get3A_516] {strides = array<i32>} : memref<64x304xf32, #tpu.memory_space<vmem>>, vector<16xf32>,
        %add3A_518 = arith.constant 0 : i32
        %add3A_519 = vector.broadcast %add3A_518 : i32 to vector<16xi32>
        %add3A_520 = arith.addi %iota3A, %add3A_519 : vector<16xi32>
        tpu.vector_store_idx %arg9[%add3A_520, %broadcast_in_dim3A_515], %get3A_517 : memref<300x128xf32, #tpu.memory_space<vmem>>[vector<16xi32>, vector<16xi32>], vector<16xf32>,
        %get3A_521 = arith.index_cast %scan3A_511 : i32 to index
        %get3A_522 = arith.constant 16 : index
        %get3A_523 = tpu.vector_load %arg7[%get3A_521, %get3A_522] {strides = array<i32>} : memref<64x304xf32, #tpu.memory_space<vmem>>, vector<16xf32>,
        %add3A_524 = arith.constant 16 : i32
        %add3A_525 = vector.broadcast %add3A_524 : i32 to vector<16xi32>
        %add3A_526 = arith.addi %iota3A, %add3A_525 : vector<16xi32>
        tpu.vector_store_idx %arg9[%add3A_526, %broadcast_in_dim3A_515], %get3A_523 : memref<300x128xf32, #tpu.memory_space<vmem>>[vector<16xi32>, vector<16xi32>], vector<16xf32>,
        %get3A_527 = arith.index_cast %scan3A_511 : i32 to index
        %get3A_528 = arith.constant 32 : index
        %get3A_529 = tpu.vector_load %arg7[%get3A_527, %get3A_528] {strides = array<i32>} : memref<64x304xf32, #tpu.memory_space<vmem>>, vector<16xf32>,
        %add3A_530 = arith.constant 32 : i32
        %add3A_531 = vector.broadcast %add3A_530 : i32 to vector<16xi32>
        %add3A_532 = arith.addi %iota3A, %add3A_531 : vector<16xi32>
        tpu.vector_store_idx %arg9[%add3A_532, %broadcast_in_dim3A_515], %get3A_529 : memref<300x128xf32, #tpu.memory_space<vmem>>[vector<16xi32>, vector<16xi32>], vector<16xf32>,
        %get3A_533 = arith.index_cast %scan3A_511 : i32 to index
        %get3A_534 = arith.constant 48 : index
        %get3A_535 = tpu.vector_load %arg7[%get3A_533, %get3A_534] {strides = array<i32>} : memref<64x304xf32, #tpu.memory_space<vmem>>, vector<16xf32>,
        %add3A_536 = arith.constant 48 : i32
        %add3A_537 = vector.broadcast %add3A_536 : i32 to vector<16xi32>
        %add3A_538 = arith.addi %iota3A, %add3A_537 : vector<16xi32>
        tpu.vector_store_idx %arg9[%add3A_538, %broadcast_in_dim3A_515], %get3A_535 : memref<300x128xf32, #tpu.memory_space<vmem>>[vector<16xi32>, vector<16xi32>], vector<16xf32>,
        %get3A_539 = arith.index_cast %scan3A_511 : i32 to index
        %get3A_540 = arith.constant 64 : index
        %get3A_541 = tpu.vector_load %arg7[%get3A_539, %get3A_540] {strides = array<i32>} : memref<64x304xf32, #tpu.memory_space<vmem>>, vector<16xf32>,
        %add3A_542 = arith.constant 64 : i32
        %add3A_543 = vector.broadcast %add3A_542 : i32 to vector<16xi32>
        %add3A_544 = arith.addi %iota3A, %add3A_543 : vector<16xi32>
        tpu.vector_store_idx %arg9[%add3A_544, %broadcast_in_dim3A_515], %get3A_541 : memref<300x128xf32, #tpu.memory_space<vmem>>[vector<16xi32>, vector<16xi32>], vector<16xf32>,
        %get3A_545 = arith.index_cast %scan3A_511 : i32 to index
        %get3A_546 = arith.constant 80 : index
        %get3A_547 = tpu.vector_load %arg7[%get3A_545, %get3A_546] {strides = array<i32>} : memref<64x304xf32, #tpu.memory_space<vmem>>, vector<16xf32>,
        %add3A_548 = arith.constant 80 : i32
        %add3A_549 = vector.broadcast %add3A_548 : i32 to vector<16xi32>
        %add3A_550 = arith.addi %iota3A, %add3A_549 : vector<16xi32>
        tpu.vector_store_idx %arg9[%add3A_550, %broadcast_in_dim3A_515], %get3A_547 : memref<300x128xf32, #tpu.memory_space<vmem>>[vector<16xi32>, vector<16xi32>], vector<16xf32>,
        %get3A_551 = arith.index_cast %scan3A_511 : i32 to index
        %get3A_552 = arith.constant 96 : index
        %get3A_553 = tpu.vector_load %arg7[%get3A_551, %get3A_552] {strides = array<i32>} : memref<64x304xf32, #tpu.memory_space<vmem>>, vector<16xf32>,
        %add3A_554 = arith.constant 96 : i32
        %add3A_555 = vector.broadcast %add3A_554 : i32 to vector<16xi32>
        %add3A_556 = arith.addi %iota3A, %add3A_555 : vector<16xi32>
        tpu.vector_store_idx %arg9[%add3A_556, %broadcast_in_dim3A_515], %get3A_553 : memref<300x128xf32, #tpu.memory_space<vmem>>[vector<16xi32>, vector<16xi32>], vector<16xf32>,
        %get3A_557 = arith.index_cast %scan3A_511 : i32 to index
        %get3A_558 = arith.constant 112 : index
        %get3A_559 = tpu.vector_load %arg7[%get3A_557, %get3A_558] {strides = array<i32>} : memref<64x304xf32, #tpu.memory_space<vmem>>, vector<16xf32>,
        %add3A_560 = arith.constant 112 : i32
        %add3A_561 = vector.broadcast %add3A_560 : i32 to vector<16xi32>
        %add3A_562 = arith.addi %iota3A, %add3A_561 : vector<16xi32>
        tpu.vector_store_idx %arg9[%add3A_562, %broadcast_in_dim3A_515], %get3A_559 : memref<300x128xf32, #tpu.memory_space<vmem>>[vector<16xi32>, vector<16xi32>], vector<16xf32>,
        %get3A_563 = arith.index_cast %scan3A_511 : i32 to index
        %get3A_564 = arith.constant 128 : index
        %get3A_565 = tpu.vector_load %arg7[%get3A_563, %get3A_564] {strides = array<i32>} : memref<64x304xf32, #tpu.memory_space<vmem>>, vector<16xf32>,
        %add3A_566 = arith.constant 128 : i32
        %add3A_567 = vector.broadcast %add3A_566 : i32 to vector<16xi32>
        %add3A_568 = arith.addi %iota3A, %add3A_567 : vector<16xi32>
        tpu.vector_store_idx %arg9[%add3A_568, %broadcast_in_dim3A_515], %get3A_565 : memref<300x128xf32, #tpu.memory_space<vmem>>[vector<16xi32>, vector<16xi32>], vector<16xf32>,
        %get3A_569 = arith.index_cast %scan3A_511 : i32 to index
        %get3A_570 = arith.constant 144 : index
        %get3A_571 = tpu.vector_load %arg7[%get3A_569, %get3A_570] {strides = array<i32>} : memref<64x304xf32, #tpu.memory_space<vmem>>, vector<16xf32>,
        %add3A_572 = arith.constant 144 : i32
        %add3A_573 = vector.broadcast %add3A_572 : i32 to vector<16xi32>
        %add3A_574 = arith.addi %iota3A, %add3A_573 : vector<16xi32>
        tpu.vector_store_idx %arg9[%add3A_574, %broadcast_in_dim3A_515], %get3A_571 : memref<300x128xf32, #tpu.memory_space<vmem>>[vector<16xi32>, vector<16xi32>], vector<16xf32>,
        %get3A_575 = arith.index_cast %scan3A_511 : i32 to index
        %get3A_576 = arith.constant 160 : index
        %get3A_577 = tpu.vector_load %arg7[%get3A_575, %get3A_576] {strides = array<i32>} : memref<64x304xf32, #tpu.memory_space<vmem>>, vector<16xf32>,
        %add3A_578 = arith.constant 160 : i32
        %add3A_579 = vector.broadcast %add3A_578 : i32 to vector<16xi32>
        %add3A_580 = arith.addi %iota3A, %add3A_579 : vector<16xi32>
        tpu.vector_store_idx %arg9[%add3A_580, %broadcast_in_dim3A_515], %get3A_577 : memref<300x128xf32, #tpu.memory_space<vmem>>[vector<16xi32>, vector<16xi32>], vector<16xf32>,
        %get3A_581 = arith.index_cast %scan3A_511 : i32 to index
        %get3A_582 = arith.constant 176 : index
        %get3A_583 = tpu.vector_load %arg7[%get3A_581, %get3A_582] {strides = array<i32>} : memref<64x304xf32, #tpu.memory_space<vmem>>, vector<16xf32>,
        %add3A_584 = arith.constant 176 : i32
        %add3A_585 = vector.broadcast %add3A_584 : i32 to vector<16xi32>
        %add3A_586 = arith.addi %iota3A, %add3A_585 : vector<16xi32>
        tpu.vector_store_idx %arg9[%add3A_586, %broadcast_in_dim3A_515], %get3A_583 : memref<300x128xf32, #tpu.memory_space<vmem>>[vector<16xi32>, vector<16xi32>], vector<16xf32>,
        %get3A_587 = arith.index_cast %scan3A_511 : i32 to index
        %get3A_588 = arith.constant 192 : index
        %get3A_589 = tpu.vector_load %arg7[%get3A_587, %get3A_588] {strides = array<i32>} : memref<64x304xf32, #tpu.memory_space<vmem>>, vector<16xf32>,
        %add3A_590 = arith.constant 192 : i32
        %add3A_591 = vector.broadcast %add3A_590 : i32 to vector<16xi32>
        %add3A_592 = arith.addi %iota3A, %add3A_591 : vector<16xi32>
        tpu.vector_store_idx %arg9[%add3A_592, %broadcast_in_dim3A_515], %get3A_589 : memref<300x128xf32, #tpu.memory_space<vmem>>[vector<16xi32>, vector<16xi32>], vector<16xf32>,
        %get3A_593 = arith.index_cast %scan3A_511 : i32 to index
        %get3A_594 = arith.constant 208 : index
        %get3A_595 = tpu.vector_load %arg7[%get3A_593, %get3A_594] {strides = array<i32>} : memref<64x304xf32, #tpu.memory_space<vmem>>, vector<16xf32>,
        %add3A_596 = arith.constant 208 : i32
        %add3A_597 = vector.broadcast %add3A_596 : i32 to vector<16xi32>
        %add3A_598 = arith.addi %iota3A, %add3A_597 : vector<16xi32>
        tpu.vector_store_idx %arg9[%add3A_598, %broadcast_in_dim3A_515], %get3A_595 : memref<300x128xf32, #tpu.memory_space<vmem>>[vector<16xi32>, vector<16xi32>], vector<16xf32>,
        %get3A_599 = arith.index_cast %scan3A_511 : i32 to index
        %get3A_600 = arith.constant 224 : index
        %get3A_601 = tpu.vector_load %arg7[%get3A_599, %get3A_600] {strides = array<i32>} : memref<64x304xf32, #tpu.memory_space<vmem>>, vector<16xf32>,
        %add3A_602 = arith.constant 224 : i32
        %add3A_603 = vector.broadcast %add3A_602 : i32 to vector<16xi32>
        %add3A_604 = arith.addi %iota3A, %add3A_603 : vector<16xi32>
        tpu.vector_store_idx %arg9[%add3A_604, %broadcast_in_dim3A_515], %get3A_601 : memref<300x128xf32, #tpu.memory_space<vmem>>[vector<16xi32>, vector<16xi32>], vector<16xf32>,
        %get3A_605 = arith.index_cast %scan3A_511 : i32 to index
        %get3A_606 = arith.constant 240 : index
        %get3A_607 = tpu.vector_load %arg7[%get3A_605, %get3A_606] {strides = array<i32>} : memref<64x304xf32, #tpu.memory_space<vmem>>, vector<16xf32>,
        %add3A_608 = arith.constant 240 : i32
        %add3A_609 = vector.broadcast %add3A_608 : i32 to vector<16xi32>
        %add3A_610 = arith.addi %iota3A, %add3A_609 : vector<16xi32>
        tpu.vector_store_idx %arg9[%add3A_610, %broadcast_in_dim3A_515], %get3A_607 : memref<300x128xf32, #tpu.memory_space<vmem>>[vector<16xi32>, vector<16xi32>], vector<16xf32>,
        %get3A_611 = arith.index_cast %scan3A_511 : i32 to index
        %get3A_612 = arith.constant 256 : index
        %get3A_613 = tpu.vector_load %arg7[%get3A_611, %get3A_612] {strides = array<i32>} : memref<64x304xf32, #tpu.memory_space<vmem>>, vector<16xf32>,
        %add3A_614 = arith.constant 256 : i32
        %add3A_615 = vector.broadcast %add3A_614 : i32 to vector<16xi32>
        %add3A_616 = arith.addi %iota3A, %add3A_615 : vector<16xi32>
        tpu.vector_store_idx %arg9[%add3A_616, %broadcast_in_dim3A_515], %get3A_613 : memref<300x128xf32, #tpu.memory_space<vmem>>[vector<16xi32>, vector<16xi32>], vector<16xf32>,
        %get3A_617 = arith.index_cast %scan3A_511 : i32 to index
        %get3A_618 = arith.constant 272 : index
        %get3A_619 = tpu.vector_load %arg7[%get3A_617, %get3A_618] {strides = array<i32>} : memref<64x304xf32, #tpu.memory_space<vmem>>, vector<16xf32>,
        %add3A_620 = arith.constant 272 : i32
        %add3A_621 = vector.broadcast %add3A_620 : i32 to vector<16xi32>
        %add3A_622 = arith.addi %iota3A, %add3A_621 : vector<16xi32>
        tpu.vector_store_idx %arg9[%add3A_622, %broadcast_in_dim3A_515], %get3A_619 : memref<300x128xf32, #tpu.memory_space<vmem>>[vector<16xi32>, vector<16xi32>], vector<16xf32>,
        %get3A_623 = arith.index_cast %scan3A_511 : i32 to index
        %get3A_624 = arith.constant 284 : index
        %get3A_625 = tpu.vector_load %arg7[%get3A_623, %get3A_624] {strides = array<i32>} : memref<64x304xf32, #tpu.memory_space<vmem>>, vector<16xf32>,
        %add3A_626 = arith.constant 284 : i32
        %add3A_627 = vector.broadcast %add3A_626 : i32 to vector<16xi32>
        %add3A_628 = arith.addi %iota3A, %add3A_627 : vector<16xi32>
        tpu.vector_store_idx %arg9[%add3A_628, %broadcast_in_dim3A_515], %get3A_625 masked %ge3A_7 : memref<300x128xf32, #tpu.memory_space<vmem>>[vector<16xi32>, vector<16xi32>], vector<16xf32>, vector<16xi1>
        %scan3A_629 = arith.constant 0 : i32
        scf.yield %scan3A_629 : i32
      }
      %scan3A_245 = arith.constant 64 : i32
      %dma_wait3A_246 = arith.constant 64 : i32
      %dma_wait3A_247 = tpu.memref_slice %arg6[%dma_wait3A_246] : memref<128xi32, #tpu.memory_space<vmem>> -> memref<64xi32, #tpu.memory_space<vmem>>
      %dma_wait3A_248 = arith.constant 0 : i32
      %dma_wait3A_249 = arith.constant 0 : i32
      %dma_wait3A_250 = tpu.memref_slice %arg2[%dma_wait3A_248, %dma_wait3A_249] : memref<100008x304xf32, #tpu.memory_space<hbm>> -> memref<100008x304xf32, #tpu.memory_space<hbm>>
      tpu.wait_indirect_dma semaphore(%arg17 : memref<!tpu.dma_semaphore, #tpu.memory_space<semaphore_mem>>) src(%dma_wait3A_250 : memref<100008x304xf32, #tpu.memory_space<hbm>>) dst(%arg8 : memref<64x304xf32, #tpu.memory_space<vmem>>)
      %scan3A_251 = arith.constant 0 : i32
      %scan3A_252 = arith.constant 0 : i32
      %scan3A_253 = arith.constant 64 : i32
      %scan3A_254 = arith.addi %scan3A_252, %scan3A_253 : i32
      %scan3A_255 = arith.constant 1 : i32
      %scan3A_256 = scf.for %scan3A_511 = %scan3A_252 to %scan3A_254 step %scan3A_255 iter_args(%scan3A_512 = %scan3A_251) -> (i32)  : i32 {
        %add3A_513 = arith.constant 64 : i32
        %add3A_514 = arith.addi %scan3A_511, %add3A_513 : i32
        %broadcast_in_dim3A_515 = vector.broadcast %add3A_514 : i32 to vector<16xi32>
        %get3A = arith.index_cast %scan3A_511 : i32 to index
        %get3A_516 = arith.constant 0 : index
        %get3A_517 = tpu.vector_load %arg8[%get3A, %get3A_516] {strides = array<i32>} : memref<64x304xf32, #tpu.memory_space<vmem>>, vector<16xf32>,
        %add3A_518 = arith.constant 0 : i32
        %add3A_519 = vector.broadcast %add3A_518 : i32 to vector<16xi32>
        %add3A_520 = arith.addi %iota3A, %add3A_519 : vector<16xi32>
        tpu.vector_store_idx %arg9[%add3A_520, %broadcast_in_dim3A_515], %get3A_517 : memref<300x128xf32, #tpu.memory_space<vmem>>[vector<16xi32>, vector<16xi32>], vector<16xf32>,
        %get3A_521 = arith.index_cast %scan3A_511 : i32 to index
        %get3A_522 = arith.constant 16 : index
        %get3A_523 = tpu.vector_load %arg8[%get3A_521, %get3A_522] {strides = array<i32>} : memref<64x304xf32, #tpu.memory_space<vmem>>, vector<16xf32>,
        %add3A_524 = arith.constant 16 : i32
        %add3A_525 = vector.broadcast %add3A_524 : i32 to vector<16xi32>
        %add3A_526 = arith.addi %iota3A, %add3A_525 : vector<16xi32>
        tpu.vector_store_idx %arg9[%add3A_526, %broadcast_in_dim3A_515], %get3A_523 : memref<300x128xf32, #tpu.memory_space<vmem>>[vector<16xi32>, vector<16xi32>], vector<16xf32>,
        %get3A_527 = arith.index_cast %scan3A_511 : i32 to index
        %get3A_528 = arith.constant 32 : index
        %get3A_529 = tpu.vector_load %arg8[%get3A_527, %get3A_528] {strides = array<i32>} : memref<64x304xf32, #tpu.memory_space<vmem>>, vector<16xf32>,
        %add3A_530 = arith.constant 32 : i32
        %add3A_531 = vector.broadcast %add3A_530 : i32 to vector<16xi32>
        %add3A_532 = arith.addi %iota3A, %add3A_531 : vector<16xi32>
        tpu.vector_store_idx %arg9[%add3A_532, %broadcast_in_dim3A_515], %get3A_529 : memref<300x128xf32, #tpu.memory_space<vmem>>[vector<16xi32>, vector<16xi32>], vector<16xf32>,
        %get3A_533 = arith.index_cast %scan3A_511 : i32 to index
        %get3A_534 = arith.constant 48 : index
        %get3A_535 = tpu.vector_load %arg8[%get3A_533, %get3A_534] {strides = array<i32>} : memref<64x304xf32, #tpu.memory_space<vmem>>, vector<16xf32>,
        %add3A_536 = arith.constant 48 : i32
        %add3A_537 = vector.broadcast %add3A_536 : i32 to vector<16xi32>
        %add3A_538 = arith.addi %iota3A, %add3A_537 : vector<16xi32>
        tpu.vector_store_idx %arg9[%add3A_538, %broadcast_in_dim3A_515], %get3A_535 : memref<300x128xf32, #tpu.memory_space<vmem>>[vector<16xi32>, vector<16xi32>], vector<16xf32>,
        %get3A_539 = arith.index_cast %scan3A_511 : i32 to index
        %get3A_540 = arith.constant 64 : index
        %get3A_541 = tpu.vector_load %arg8[%get3A_539, %get3A_540] {strides = array<i32>} : memref<64x304xf32, #tpu.memory_space<vmem>>, vector<16xf32>,
        %add3A_542 = arith.constant 64 : i32
        %add3A_543 = vector.broadcast %add3A_542 : i32 to vector<16xi32>
        %add3A_544 = arith.addi %iota3A, %add3A_543 : vector<16xi32>
        tpu.vector_store_idx %arg9[%add3A_544, %broadcast_in_dim3A_515], %get3A_541 : memref<300x128xf32, #tpu.memory_space<vmem>>[vector<16xi32>, vector<16xi32>], vector<16xf32>,
        %get3A_545 = arith.index_cast %scan3A_511 : i32 to index
        %get3A_546 = arith.constant 80 : index
        %get3A_547 = tpu.vector_load %arg8[%get3A_545, %get3A_546] {strides = array<i32>} : memref<64x304xf32, #tpu.memory_space<vmem>>, vector<16xf32>,
        %add3A_548 = arith.constant 80 : i32
        %add3A_549 = vector.broadcast %add3A_548 : i32 to vector<16xi32>
        %add3A_550 = arith.addi %iota3A, %add3A_549 : vector<16xi32>
        tpu.vector_store_idx %arg9[%add3A_550, %broadcast_in_dim3A_515], %get3A_547 : memref<300x128xf32, #tpu.memory_space<vmem>>[vector<16xi32>, vector<16xi32>], vector<16xf32>,
        %get3A_551 = arith.index_cast %scan3A_511 : i32 to index
        %get3A_552 = arith.constant 96 : index
        %get3A_553 = tpu.vector_load %arg8[%get3A_551, %get3A_552] {strides = array<i32>} : memref<64x304xf32, #tpu.memory_space<vmem>>, vector<16xf32>,
        %add3A_554 = arith.constant 96 : i32
        %add3A_555 = vector.broadcast %add3A_554 : i32 to vector<16xi32>
        %add3A_556 = arith.addi %iota3A, %add3A_555 : vector<16xi32>
        tpu.vector_store_idx %arg9[%add3A_556, %broadcast_in_dim3A_515], %get3A_553 : memref<300x128xf32, #tpu.memory_space<vmem>>[vector<16xi32>, vector<16xi32>], vector<16xf32>,
        %get3A_557 = arith.index_cast %scan3A_511 : i32 to index
        %get3A_558 = arith.constant 112 : index
        %get3A_559 = tpu.vector_load %arg8[%get3A_557, %get3A_558] {strides = array<i32>} : memref<64x304xf32, #tpu.memory_space<vmem>>, vector<16xf32>,
        %add3A_560 = arith.constant 112 : i32
        %add3A_561 = vector.broadcast %add3A_560 : i32 to vector<16xi32>
        %add3A_562 = arith.addi %iota3A, %add3A_561 : vector<16xi32>
        tpu.vector_store_idx %arg9[%add3A_562, %broadcast_in_dim3A_515], %get3A_559 : memref<300x128xf32, #tpu.memory_space<vmem>>[vector<16xi32>, vector<16xi32>], vector<16xf32>,
        %get3A_563 = arith.index_cast %scan3A_511 : i32 to index
        %get3A_564 = arith.constant 128 : index
        %get3A_565 = tpu.vector_load %arg8[%get3A_563, %get3A_564] {strides = array<i32>} : memref<64x304xf32, #tpu.memory_space<vmem>>, vector<16xf32>,
        %add3A_566 = arith.constant 128 : i32
        %add3A_567 = vector.broadcast %add3A_566 : i32 to vector<16xi32>
        %add3A_568 = arith.addi %iota3A, %add3A_567 : vector<16xi32>
        tpu.vector_store_idx %arg9[%add3A_568, %broadcast_in_dim3A_515], %get3A_565 : memref<300x128xf32, #tpu.memory_space<vmem>>[vector<16xi32>, vector<16xi32>], vector<16xf32>,
        %get3A_569 = arith.index_cast %scan3A_511 : i32 to index
        %get3A_570 = arith.constant 144 : index
        %get3A_571 = tpu.vector_load %arg8[%get3A_569, %get3A_570] {strides = array<i32>} : memref<64x304xf32, #tpu.memory_space<vmem>>, vector<16xf32>,
        %add3A_572 = arith.constant 144 : i32
        %add3A_573 = vector.broadcast %add3A_572 : i32 to vector<16xi32>
        %add3A_574 = arith.addi %iota3A, %add3A_573 : vector<16xi32>
        tpu.vector_store_idx %arg9[%add3A_574, %broadcast_in_dim3A_515], %get3A_571 : memref<300x128xf32, #tpu.memory_space<vmem>>[vector<16xi32>, vector<16xi32>], vector<16xf32>,
        %get3A_575 = arith.index_cast %scan3A_511 : i32 to index
        %get3A_576 = arith.constant 160 : index
        %get3A_577 = tpu.vector_load %arg8[%get3A_575, %get3A_576] {strides = array<i32>} : memref<64x304xf32, #tpu.memory_space<vmem>>, vector<16xf32>,
        %add3A_578 = arith.constant 160 : i32
        %add3A_579 = vector.broadcast %add3A_578 : i32 to vector<16xi32>
        %add3A_580 = arith.addi %iota3A, %add3A_579 : vector<16xi32>
        tpu.vector_store_idx %arg9[%add3A_580, %broadcast_in_dim3A_515], %get3A_577 : memref<300x128xf32, #tpu.memory_space<vmem>>[vector<16xi32>, vector<16xi32>], vector<16xf32>,
        %get3A_581 = arith.index_cast %scan3A_511 : i32 to index
        %get3A_582 = arith.constant 176 : index
        %get3A_583 = tpu.vector_load %arg8[%get3A_581, %get3A_582] {strides = array<i32>} : memref<64x304xf32, #tpu.memory_space<vmem>>, vector<16xf32>,
        %add3A_584 = arith.constant 176 : i32
        %add3A_585 = vector.broadcast %add3A_584 : i32 to vector<16xi32>
        %add3A_586 = arith.addi %iota3A, %add3A_585 : vector<16xi32>
        tpu.vector_store_idx %arg9[%add3A_586, %broadcast_in_dim3A_515], %get3A_583 : memref<300x128xf32, #tpu.memory_space<vmem>>[vector<16xi32>, vector<16xi32>], vector<16xf32>,
        %get3A_587 = arith.index_cast %scan3A_511 : i32 to index
        %get3A_588 = arith.constant 192 : index
        %get3A_589 = tpu.vector_load %arg8[%get3A_587, %get3A_588] {strides = array<i32>} : memref<64x304xf32, #tpu.memory_space<vmem>>, vector<16xf32>,
        %add3A_590 = arith.constant 192 : i32
        %add3A_591 = vector.broadcast %add3A_590 : i32 to vector<16xi32>
        %add3A_592 = arith.addi %iota3A, %add3A_591 : vector<16xi32>
        tpu.vector_store_idx %arg9[%add3A_592, %broadcast_in_dim3A_515], %get3A_589 : memref<300x128xf32, #tpu.memory_space<vmem>>[vector<16xi32>, vector<16xi32>], vector<16xf32>,
        %get3A_593 = arith.index_cast %scan3A_511 : i32 to index
        %get3A_594 = arith.constant 208 : index
        %get3A_595 = tpu.vector_load %arg8[%get3A_593, %get3A_594] {strides = array<i32>} : memref<64x304xf32, #tpu.memory_space<vmem>>, vector<16xf32>,
        %add3A_596 = arith.constant 208 : i32
        %add3A_597 = vector.broadcast %add3A_596 : i32 to vector<16xi32>
        %add3A_598 = arith.addi %iota3A, %add3A_597 : vector<16xi32>
        tpu.vector_store_idx %arg9[%add3A_598, %broadcast_in_dim3A_515], %get3A_595 : memref<300x128xf32, #tpu.memory_space<vmem>>[vector<16xi32>, vector<16xi32>], vector<16xf32>,
        %get3A_599 = arith.index_cast %scan3A_511 : i32 to index
        %get3A_600 = arith.constant 224 : index
        %get3A_601 = tpu.vector_load %arg8[%get3A_599, %get3A_600] {strides = array<i32>} : memref<64x304xf32, #tpu.memory_space<vmem>>, vector<16xf32>,
        %add3A_602 = arith.constant 224 : i32
        %add3A_603 = vector.broadcast %add3A_602 : i32 to vector<16xi32>
        %add3A_604 = arith.addi %iota3A, %add3A_603 : vector<16xi32>
        tpu.vector_store_idx %arg9[%add3A_604, %broadcast_in_dim3A_515], %get3A_601 : memref<300x128xf32, #tpu.memory_space<vmem>>[vector<16xi32>, vector<16xi32>], vector<16xf32>,
        %get3A_605 = arith.index_cast %scan3A_511 : i32 to index
        %get3A_606 = arith.constant 240 : index
        %get3A_607 = tpu.vector_load %arg8[%get3A_605, %get3A_606] {strides = array<i32>} : memref<64x304xf32, #tpu.memory_space<vmem>>, vector<16xf32>,
        %add3A_608 = arith.constant 240 : i32
        %add3A_609 = vector.broadcast %add3A_608 : i32 to vector<16xi32>
        %add3A_610 = arith.addi %iota3A, %add3A_609 : vector<16xi32>
        tpu.vector_store_idx %arg9[%add3A_610, %broadcast_in_dim3A_515], %get3A_607 : memref<300x128xf32, #tpu.memory_space<vmem>>[vector<16xi32>, vector<16xi32>], vector<16xf32>,
        %get3A_611 = arith.index_cast %scan3A_511 : i32 to index
        %get3A_612 = arith.constant 256 : index
        %get3A_613 = tpu.vector_load %arg8[%get3A_611, %get3A_612] {strides = array<i32>} : memref<64x304xf32, #tpu.memory_space<vmem>>, vector<16xf32>,
        %add3A_614 = arith.constant 256 : i32
        %add3A_615 = vector.broadcast %add3A_614 : i32 to vector<16xi32>
        %add3A_616 = arith.addi %iota3A, %add3A_615 : vector<16xi32>
        tpu.vector_store_idx %arg9[%add3A_616, %broadcast_in_dim3A_515], %get3A_613 : memref<300x128xf32, #tpu.memory_space<vmem>>[vector<16xi32>, vector<16xi32>], vector<16xf32>,
        %get3A_617 = arith.index_cast %scan3A_511 : i32 to index
        %get3A_618 = arith.constant 272 : index
        %get3A_619 = tpu.vector_load %arg8[%get3A_617, %get3A_618] {strides = array<i32>} : memref<64x304xf32, #tpu.memory_space<vmem>>, vector<16xf32>,
        %add3A_620 = arith.constant 272 : i32
        %add3A_621 = vector.broadcast %add3A_620 : i32 to vector<16xi32>
        %add3A_622 = arith.addi %iota3A, %add3A_621 : vector<16xi32>
        tpu.vector_store_idx %arg9[%add3A_622, %broadcast_in_dim3A_515], %get3A_619 : memref<300x128xf32, #tpu.memory_space<vmem>>[vector<16xi32>, vector<16xi32>], vector<16xf32>,
        %get3A_623 = arith.index_cast %scan3A_511 : i32 to index
        %get3A_624 = arith.constant 284 : index
        %get3A_625 = tpu.vector_load %arg8[%get3A_623, %get3A_624] {strides = array<i32>} : memref<64x304xf32, #tpu.memory_space<vmem>>, vector<16xf32>,
        %add3A_626 = arith.constant 284 : i32
        %add3A_627 = vector.broadcast %add3A_626 : i32 to vector<16xi32>
        %add3A_628 = arith.addi %iota3A, %add3A_627 : vector<16xi32>
        tpu.vector_store_idx %arg9[%add3A_628, %broadcast_in_dim3A_515], %get3A_625 masked %ge3A_7 : memref<300x128xf32, #tpu.memory_space<vmem>>[vector<16xi32>, vector<16xi32>], vector<16xf32>, vector<16xi1>
        %scan3A_629 = arith.constant 0 : i32
        scf.yield %scan3A_629 : i32
      }
      %scan3A_257 = arith.constant 64 : i32
      %dma_start3A_258 = arith.constant 0 : i32
      %dma_start3A_259 = arith.constant 0 : i32
      %dma_start3A_260 = tpu.memref_slice %arg9[%dma_start3A_258, %dma_start3A_259] : memref<300x128xf32, #tpu.memory_space<vmem>> -> memref<128x128xf32, #tpu.memory_space<vmem>>
      %dma_start3A_261 = arith.constant 0 : i32
      %dma_start3A_262 = arith.constant 0 : i32
      %dma_start3A_263 = tpu.memref_slice %arg4[%dma_start3A_261, %dma_start3A_262] : memref<480000x128xf32, #tpu.memory_space<hbm>> -> memref<480000x128xf32, #tpu.memory_space<hbm>>
      tpu.enqueue_indirect_dma source(%dma_start3A_260 : memref<128x128xf32, #tpu.memory_space<vmem>>) target(%dma_start3A_263 : memref<480000x128xf32, #tpu.memory_space<hbm>>) offsets(%arg11 : memref<128xi32, #tpu.memory_space<vmem>>) semaphore(%arg18 : memref<!tpu.dma_semaphore, #tpu.memory_space<semaphore_mem>>)
      %dma_start3A_264 = arith.constant 128 : i32
      %dma_start3A_265 = arith.constant 0 : i32
      %dma_start3A_266 = tpu.memref_slice %arg9[%dma_start3A_264, %dma_start3A_265] : memref<300x128xf32, #tpu.memory_space<vmem>> -> memref<128x128xf32, #tpu.memory_space<vmem>>
      %dma_start3A_267 = arith.constant 0 : i32
      %dma_start3A_268 = arith.constant 0 : i32
      %dma_start3A_269 = tpu.memref_slice %arg4[%dma_start3A_267, %dma_start3A_268] : memref<480000x128xf32, #tpu.memory_space<hbm>> -> memref<480000x128xf32, #tpu.memory_space<hbm>>
      tpu.enqueue_indirect_dma source(%dma_start3A_266 : memref<128x128xf32, #tpu.memory_space<vmem>>) target(%dma_start3A_269 : memref<480000x128xf32, #tpu.memory_space<hbm>>) offsets(%arg12 : memref<128xi32, #tpu.memory_space<vmem>>) semaphore(%arg18 : memref<!tpu.dma_semaphore, #tpu.memory_space<semaphore_mem>>)
      %dma_start3A_270 = arith.constant 256 : i32
      %dma_start3A_271 = arith.constant 0 : i32
      %dma_start3A_272 = tpu.memref_slice %arg9[%dma_start3A_270, %dma_start3A_271] : memref<300x128xf32, #tpu.memory_space<vmem>> -> memref<44x128xf32, #tpu.memory_space<vmem>>
      %dma_start3A_273 = arith.constant 0 : i32
      %dma_start3A_274 = arith.constant 0 : i32
      %dma_start3A_275 = tpu.memref_slice %arg4[%dma_start3A_273, %dma_start3A_274] : memref<480000x128xf32, #tpu.memory_space<hbm>> -> memref<480000x128xf32, #tpu.memory_space<hbm>>
      tpu.enqueue_indirect_dma source(%dma_start3A_272 : memref<44x128xf32, #tpu.memory_space<vmem>>) target(%dma_start3A_275 : memref<480000x128xf32, #tpu.memory_space<hbm>>) offsets(%arg13 : memref<44xi32, #tpu.memory_space<vmem>>) semaphore(%arg18 : memref<!tpu.dma_semaphore, #tpu.memory_space<semaphore_mem>>)
      %mul3A_276 = arith.constant 2 : i32
      %mul3A_277 = arith.muli %mul3A_276, %scan3A_49 : i32
      %add3A_278 = arith.constant 1 : i32
      %add3A_279 = arith.addi %mul3A_277, %add3A_278 : i32
      %gt3A_280 = arith.constant 0 : i32
      %gt3A_281 = arith.cmpi sgt, %scan3A_49, %gt3A_280 : i32
      %add3A_282 = arith.constant 0 : i32
      %add3A_283 = vector.broadcast %add3A_282 : i32 to vector<16xi32>
      %add3A_284 = arith.addi %iota3A, %add3A_283 : vector<16xi32>
      %broadcast_in_dim3A_285 = vector.broadcast %add3A_279 : i32 to vector<16xi32>
      %gather3A_286 = tpu.vector_load_idx %arg5[%add3A_284, %broadcast_in_dim3A_285] : memref<128x50xi32, #tpu.memory_space<vmem>>[vector<16xi32>, vector<16xi32>], vector<16xi32>,
      %swap3A_287 = arith.constant 0 : index
      %swap3A_288 = tpu.vector_load %arg6[%swap3A_287] {strides = array<i32>} : memref<128xi32, #tpu.memory_space<vmem>>, vector<16xi32>,
      tpu.vector_store %arg6[%swap3A_287], %gather3A_286 {strides = array<i32>} : memref<128xi32, #tpu.memory_space<vmem>>, vector<16xi32>,
      %add3A_289 = arith.constant 16 : i32
      %add3A_290 = vector.broadcast %add3A_289 : i32 to vector<16xi32>
      %add3A_291 = arith.addi %iota3A, %add3A_290 : vector<16xi32>
      %broadcast_in_dim3A_292 = vector.broadcast %add3A_279 : i32 to vector<16xi32>
      %gather3A_293 = tpu.vector_load_idx %arg5[%add3A_291, %broadcast_in_dim3A_292] : memref<128x50xi32, #tpu.memory_space<vmem>>[vector<16xi32>, vector<16xi32>], vector<16xi32>,
      %swap3A_294 = arith.constant 16 : index
      %swap3A_295 = tpu.vector_load %arg6[%swap3A_294] {strides = array<i32>} : memref<128xi32, #tpu.memory_space<vmem>>, vector<16xi32>,
      tpu.vector_store %arg6[%swap3A_294], %gather3A_293 {strides = array<i32>} : memref<128xi32, #tpu.memory_space<vmem>>, vector<16xi32>,
      %add3A_296 = arith.constant 32 : i32
      %add3A_297 = vector.broadcast %add3A_296 : i32 to vector<16xi32>
      %add3A_298 = arith.addi %iota3A, %add3A_297 : vector<16xi32>
      %broadcast_in_dim3A_299 = vector.broadcast %add3A_279 : i32 to vector<16xi32>
      %gather3A_300 = tpu.vector_load_idx %arg5[%add3A_298, %broadcast_in_dim3A_299] : memref<128x50xi32, #tpu.memory_space<vmem>>[vector<16xi32>, vector<16xi32>], vector<16xi32>,
      %swap3A_301 = arith.constant 32 : index
      %swap3A_302 = tpu.vector_load %arg6[%swap3A_301] {strides = array<i32>} : memref<128xi32, #tpu.memory_space<vmem>>, vector<16xi32>,
      tpu.vector_store %arg6[%swap3A_301], %gather3A_300 {strides = array<i32>} : memref<128xi32, #tpu.memory_space<vmem>>, vector<16xi32>,
      %add3A_303 = arith.constant 48 : i32
      %add3A_304 = vector.broadcast %add3A_303 : i32 to vector<16xi32>
      %add3A_305 = arith.addi %iota3A, %add3A_304 : vector<16xi32>
      %broadcast_in_dim3A_306 = vector.broadcast %add3A_279 : i32 to vector<16xi32>
      %gather3A_307 = tpu.vector_load_idx %arg5[%add3A_305, %broadcast_in_dim3A_306] : memref<128x50xi32, #tpu.memory_space<vmem>>[vector<16xi32>, vector<16xi32>], vector<16xi32>,
      %swap3A_308 = arith.constant 48 : index
      %swap3A_309 = tpu.vector_load %arg6[%swap3A_308] {strides = array<i32>} : memref<128xi32, #tpu.memory_space<vmem>>, vector<16xi32>,
      tpu.vector_store %arg6[%swap3A_308], %gather3A_307 {strides = array<i32>} : memref<128xi32, #tpu.memory_space<vmem>>, vector<16xi32>,
      %add3A_310 = arith.constant 64 : i32
      %add3A_311 = vector.broadcast %add3A_310 : i32 to vector<16xi32>
      %add3A_312 = arith.addi %iota3A, %add3A_311 : vector<16xi32>
      %broadcast_in_dim3A_313 = vector.broadcast %add3A_279 : i32 to vector<16xi32>
      %gather3A_314 = tpu.vector_load_idx %arg5[%add3A_312, %broadcast_in_dim3A_313] : memref<128x50xi32, #tpu.memory_space<vmem>>[vector<16xi32>, vector<16xi32>], vector<16xi32>,
      %swap3A_315 = arith.constant 64 : index
      %swap3A_316 = tpu.vector_load %arg6[%swap3A_315] {strides = array<i32>} : memref<128xi32, #tpu.memory_space<vmem>>, vector<16xi32>,
      tpu.vector_store %arg6[%swap3A_315], %gather3A_314 {strides = array<i32>} : memref<128xi32, #tpu.memory_space<vmem>>, vector<16xi32>,
      %add3A_317 = arith.constant 80 : i32
      %add3A_318 = vector.broadcast %add3A_317 : i32 to vector<16xi32>
      %add3A_319 = arith.addi %iota3A, %add3A_318 : vector<16xi32>
      %broadcast_in_dim3A_320 = vector.broadcast %add3A_279 : i32 to vector<16xi32>
      %gather3A_321 = tpu.vector_load_idx %arg5[%add3A_319, %broadcast_in_dim3A_320] : memref<128x50xi32, #tpu.memory_space<vmem>>[vector<16xi32>, vector<16xi32>], vector<16xi32>,
      %swap3A_322 = arith.constant 80 : index
      %swap3A_323 = tpu.vector_load %arg6[%swap3A_322] {strides = array<i32>} : memref<128xi32, #tpu.memory_space<vmem>>, vector<16xi32>,
      tpu.vector_store %arg6[%swap3A_322], %gather3A_321 {strides = array<i32>} : memref<128xi32, #tpu.memory_space<vmem>>, vector<16xi32>,
      %add3A_324 = arith.constant 96 : i32
      %add3A_325 = vector.broadcast %add3A_324 : i32 to vector<16xi32>
      %add3A_326 = arith.addi %iota3A, %add3A_325 : vector<16xi32>
      %broadcast_in_dim3A_327 = vector.broadcast %add3A_279 : i32 to vector<16xi32>
      %gather3A_328 = tpu.vector_load_idx %arg5[%add3A_326, %broadcast_in_dim3A_327] : memref<128x50xi32, #tpu.memory_space<vmem>>[vector<16xi32>, vector<16xi32>], vector<16xi32>,
      %swap3A_329 = arith.constant 96 : index
      %swap3A_330 = tpu.vector_load %arg6[%swap3A_329] {strides = array<i32>} : memref<128xi32, #tpu.memory_space<vmem>>, vector<16xi32>,
      tpu.vector_store %arg6[%swap3A_329], %gather3A_328 {strides = array<i32>} : memref<128xi32, #tpu.memory_space<vmem>>, vector<16xi32>,
      %add3A_331 = arith.constant 112 : i32
      %add3A_332 = vector.broadcast %add3A_331 : i32 to vector<16xi32>
      %add3A_333 = arith.addi %iota3A, %add3A_332 : vector<16xi32>
      %broadcast_in_dim3A_334 = vector.broadcast %add3A_279 : i32 to vector<16xi32>
      %gather3A_335 = tpu.vector_load_idx %arg5[%add3A_333, %broadcast_in_dim3A_334] : memref<128x50xi32, #tpu.memory_space<vmem>>[vector<16xi32>, vector<16xi32>], vector<16xi32>,
      %swap3A_336 = arith.constant 112 : index
      %swap3A_337 = tpu.vector_load %arg6[%swap3A_336] {strides = array<i32>} : memref<128xi32, #tpu.memory_space<vmem>>, vector<16xi32>,
      tpu.vector_store %arg6[%swap3A_336], %gather3A_335 {strides = array<i32>} : memref<128xi32, #tpu.memory_space<vmem>>, vector<16xi32>,
      %dma_start3A_338 = arith.constant 0 : i32
      %dma_start3A_339 = tpu.memref_slice %arg6[%dma_start3A_338] : memref<128xi32, #tpu.memory_space<vmem>> -> memref<64xi32, #tpu.memory_space<vmem>>
      %dma_start3A_340 = arith.constant 0 : i32
      %dma_start3A_341 = arith.constant 0 : i32
      %dma_start3A_342 = tpu.memref_slice %arg2[%dma_start3A_340, %dma_start3A_341] : memref<100008x304xf32, #tpu.memory_space<hbm>> -> memref<100008x304xf32, #tpu.memory_space<hbm>>
      tpu.enqueue_indirect_dma source(%dma_start3A_342 : memref<100008x304xf32, #tpu.memory_space<hbm>>) target(%arg7 : memref<64x304xf32, #tpu.memory_space<vmem>>) offsets(%dma_start3A_339 : memref<64xi32, #tpu.memory_space<vmem>>) semaphore(%arg17 : memref<!tpu.dma_semaphore, #tpu.memory_space<semaphore_mem>>)
      %dma_start3A_343 = arith.constant 64 : i32
      %dma_start3A_344 = tpu.memref_slice %arg6[%dma_start3A_343] : memref<128xi32, #tpu.memory_space<vmem>> -> memref<64xi32, #tpu.memory_space<vmem>>
      %dma_start3A_345 = arith.constant 0 : i32
      %dma_start3A_346 = arith.constant 0 : i32
      %dma_start3A_347 = tpu.memref_slice %arg2[%dma_start3A_345, %dma_start3A_346] : memref<100008x304xf32, #tpu.memory_space<hbm>> -> memref<100008x304xf32, #tpu.memory_space<hbm>>
      tpu.enqueue_indirect_dma source(%dma_start3A_347 : memref<100008x304xf32, #tpu.memory_space<hbm>>) target(%arg8 : memref<64x304xf32, #tpu.memory_space<vmem>>) offsets(%dma_start3A_344 : memref<64xi32, #tpu.memory_space<vmem>>) semaphore(%arg17 : memref<!tpu.dma_semaphore, #tpu.memory_space<semaphore_mem>>)
      %convert_element_type3A_348 = arith.extui %gt3A_281 : i1 to i32
      %cond3A_349 = arith.constant 0 : i32
      %cond3A_350 = arith.cmpi ne, %convert_element_type3A_348, %cond3A_349 : i32
      scf.if %cond3A_350 {
        %dma_wait3A_511 = arith.constant 0 : i32
        %dma_wait3A_512 = arith.constant 0 : i32
        %dma_wait3A_513 = tpu.memref_slice %arg10[%dma_wait3A_511, %dma_wait3A_512] : memref<300x128xf32, #tpu.memory_space<vmem>> -> memref<128x128xf32, #tpu.memory_space<vmem>>
        %dma_wait3A_514 = arith.constant 0 : i32
        %dma_wait3A_515 = arith.constant 0 : i32
        %dma_wait3A_516 = tpu.memref_slice %arg4[%dma_wait3A_514, %dma_wait3A_515] : memref<480000x128xf32, #tpu.memory_space<hbm>> -> memref<480000x128xf32, #tpu.memory_space<hbm>>
        tpu.wait_indirect_dma semaphore(%arg19 : memref<!tpu.dma_semaphore, #tpu.memory_space<semaphore_mem>>) src(%dma_wait3A_513 : memref<128x128xf32, #tpu.memory_space<vmem>>) dst(%dma_wait3A_516 : memref<480000x128xf32, #tpu.memory_space<hbm>>)
        %dma_wait3A_517 = arith.constant 128 : i32
        %dma_wait3A_518 = arith.constant 0 : i32
        %dma_wait3A_519 = tpu.memref_slice %arg10[%dma_wait3A_517, %dma_wait3A_518] : memref<300x128xf32, #tpu.memory_space<vmem>> -> memref<128x128xf32, #tpu.memory_space<vmem>>
        %dma_wait3A_520 = arith.constant 0 : i32
        %dma_wait3A_521 = arith.constant 0 : i32
        %dma_wait3A_522 = tpu.memref_slice %arg4[%dma_wait3A_520, %dma_wait3A_521] : memref<480000x128xf32, #tpu.memory_space<hbm>> -> memref<480000x128xf32, #tpu.memory_space<hbm>>
        tpu.wait_indirect_dma semaphore(%arg19 : memref<!tpu.dma_semaphore, #tpu.memory_space<semaphore_mem>>) src(%dma_wait3A_519 : memref<128x128xf32, #tpu.memory_space<vmem>>) dst(%dma_wait3A_522 : memref<480000x128xf32, #tpu.memory_space<hbm>>)
        %dma_wait3A_523 = arith.constant 256 : i32
        %dma_wait3A_524 = arith.constant 0 : i32
        %dma_wait3A_525 = tpu.memref_slice %arg10[%dma_wait3A_523, %dma_wait3A_524] : memref<300x128xf32, #tpu.memory_space<vmem>> -> memref<44x128xf32, #tpu.memory_space<vmem>>
        %dma_wait3A_526 = arith.constant 0 : i32
        %dma_wait3A_527 = arith.constant 0 : i32
        %dma_wait3A_528 = tpu.memref_slice %arg4[%dma_wait3A_526, %dma_wait3A_527] : memref<480000x128xf32, #tpu.memory_space<hbm>> -> memref<480000x128xf32, #tpu.memory_space<hbm>>
        tpu.wait_indirect_dma semaphore(%arg19 : memref<!tpu.dma_semaphore, #tpu.memory_space<semaphore_mem>>) src(%dma_wait3A_525 : memref<44x128xf32, #tpu.memory_space<vmem>>) dst(%dma_wait3A_528 : memref<480000x128xf32, #tpu.memory_space<hbm>>)
      } else {
      }
      %mul3A_351 = arith.constant 32 : i32
      %mul3A_352 = arith.muli %add3A_279, %mul3A_351 : i32
      %add3A_353 = arith.addi %mul3A_352, %add3A : i32
      %add3A_354 = arith.constant 0 : i32
      %add3A_355 = arith.addi %add3A_354, %add3A_353 : i32
      %add3A_356 = vector.broadcast %add3A_355 : i32 to vector<16xi32>
      %add3A_357 = arith.addi %mul3A_5, %add3A_356 : vector<16xi32>
      %swap3A_358 = arith.constant 0 : index
      %swap3A_359 = tpu.vector_load %arg14[%swap3A_358] {strides = array<i32>} : memref<128xi32, #tpu.memory_space<vmem>>, vector<16xi32>,
      tpu.vector_store %arg14[%swap3A_358], %add3A_357 {strides = array<i32>} : memref<128xi32, #tpu.memory_space<vmem>>, vector<16xi32>,
      %add3A_360 = arith.constant 25600 : i32
      %add3A_361 = arith.addi %add3A_360, %add3A_353 : i32
      %add3A_362 = vector.broadcast %add3A_361 : i32 to vector<16xi32>
      %add3A_363 = arith.addi %mul3A_5, %add3A_362 : vector<16xi32>
      %swap3A_364 = arith.constant 16 : index
      %swap3A_365 = tpu.vector_load %arg14[%swap3A_364] {strides = array<i32>} : memref<128xi32, #tpu.memory_space<vmem>>, vector<16xi32>,
      tpu.vector_store %arg14[%swap3A_364], %add3A_363 {strides = array<i32>} : memref<128xi32, #tpu.memory_space<vmem>>, vector<16xi32>,
      %add3A_366 = arith.constant 51200 : i32
      %add3A_367 = arith.addi %add3A_366, %add3A_353 : i32
      %add3A_368 = vector.broadcast %add3A_367 : i32 to vector<16xi32>
      %add3A_369 = arith.addi %mul3A_5, %add3A_368 : vector<16xi32>
      %swap3A_370 = arith.constant 32 : index
      %swap3A_371 = tpu.vector_load %arg14[%swap3A_370] {strides = array<i32>} : memref<128xi32, #tpu.memory_space<vmem>>, vector<16xi32>,
      tpu.vector_store %arg14[%swap3A_370], %add3A_369 {strides = array<i32>} : memref<128xi32, #tpu.memory_space<vmem>>, vector<16xi32>,
      %add3A_372 = arith.constant 76800 : i32
      %add3A_373 = arith.addi %add3A_372, %add3A_353 : i32
      %add3A_374 = vector.broadcast %add3A_373 : i32 to vector<16xi32>
      %add3A_375 = arith.addi %mul3A_5, %add3A_374 : vector<16xi32>
      %swap3A_376 = arith.constant 48 : index
      %swap3A_377 = tpu.vector_load %arg14[%swap3A_376] {strides = array<i32>} : memref<128xi32, #tpu.memory_space<vmem>>, vector<16xi32>,
      tpu.vector_store %arg14[%swap3A_376], %add3A_375 {strides = array<i32>} : memref<128xi32, #tpu.memory_space<vmem>>, vector<16xi32>,
      %add3A_378 = arith.constant 102400 : i32
      %add3A_379 = arith.addi %add3A_378, %add3A_353 : i32
      %add3A_380 = vector.broadcast %add3A_379 : i32 to vector<16xi32>
      %add3A_381 = arith.addi %mul3A_5, %add3A_380 : vector<16xi32>
      %swap3A_382 = arith.constant 64 : index
      %swap3A_383 = tpu.vector_load %arg14[%swap3A_382] {strides = array<i32>} : memref<128xi32, #tpu.memory_space<vmem>>, vector<16xi32>,
      tpu.vector_store %arg14[%swap3A_382], %add3A_381 {strides = array<i32>} : memref<128xi32, #tpu.memory_space<vmem>>, vector<16xi32>,
      %add3A_384 = arith.constant 128000 : i32
      %add3A_385 = arith.addi %add3A_384, %add3A_353 : i32
      %add3A_386 = vector.broadcast %add3A_385 : i32 to vector<16xi32>
      %add3A_387 = arith.addi %mul3A_5, %add3A_386 : vector<16xi32>
      %swap3A_388 = arith.constant 80 : index
      %swap3A_389 = tpu.vector_load %arg14[%swap3A_388] {strides = array<i32>} : memref<128xi32, #tpu.memory_space<vmem>>, vector<16xi32>,
      tpu.vector_store %arg14[%swap3A_388], %add3A_387 {strides = array<i32>} : memref<128xi32, #tpu.memory_space<vmem>>, vector<16xi32>,
      %add3A_390 = arith.constant 153600 : i32
      %add3A_391 = arith.addi %add3A_390, %add3A_353 : i32
      %add3A_392 = vector.broadcast %add3A_391 : i32 to vector<16xi32>
      %add3A_393 = arith.addi %mul3A_5, %add3A_392 : vector<16xi32>
      %swap3A_394 = arith.constant 96 : index
      %swap3A_395 = tpu.vector_load %arg14[%swap3A_394] {strides = array<i32>} : memref<128xi32, #tpu.memory_space<vmem>>, vector<16xi32>,
      tpu.vector_store %arg14[%swap3A_394], %add3A_393 {strides = array<i32>} : memref<128xi32, #tpu.memory_space<vmem>>, vector<16xi32>,
      %add3A_396 = arith.constant 179200 : i32
      %add3A_397 = arith.addi %add3A_396, %add3A_353 : i32
      %add3A_398 = vector.broadcast %add3A_397 : i32 to vector<16xi32>
      %add3A_399 = arith.addi %mul3A_5, %add3A_398 : vector<16xi32>
      %swap3A_400 = arith.constant 112 : index
      %swap3A_401 = tpu.vector_load %arg14[%swap3A_400] {strides = array<i32>} : memref<128xi32, #tpu.memory_space<vmem>>, vector<16xi32>,
      tpu.vector_store %arg14[%swap3A_400], %add3A_399 {strides = array<i32>} : memref<128xi32, #tpu.memory_space<vmem>>, vector<16xi32>,
      %add3A_402 = arith.constant 204800 : i32
      %add3A_403 = arith.addi %add3A_402, %add3A_353 : i32
      %add3A_404 = vector.broadcast %add3A_403 : i32 to vector<16xi32>
      %add3A_405 = arith.addi %mul3A_5, %add3A_404 : vector<16xi32>
      %swap3A_406 = arith.constant 0 : index
      %swap3A_407 = tpu.vector_load %arg15[%swap3A_406] {strides = array<i32>} : memref<128xi32, #tpu.memory_space<vmem>>, vector<16xi32>,
      tpu.vector_store %arg15[%swap3A_406], %add3A_405 {strides = array<i32>} : memref<128xi32, #tpu.memory_space<vmem>>, vector<16xi32>,
      %add3A_408 = arith.constant 230400 : i32
      %add3A_409 = arith.addi %add3A_408, %add3A_353 : i32
      %add3A_410 = vector.broadcast %add3A_409 : i32 to vector<16xi32>
      %add3A_411 = arith.addi %mul3A_5, %add3A_410 : vector<16xi32>
      %swap3A_412 = arith.constant 16 : index
      %swap3A_413 = tpu.vector_load %arg15[%swap3A_412] {strides = array<i32>} : memref<128xi32, #tpu.memory_space<vmem>>, vector<16xi32>,
      tpu.vector_store %arg15[%swap3A_412], %add3A_411 {strides = array<i32>} : memref<128xi32, #tpu.memory_space<vmem>>, vector<16xi32>,
      %add3A_414 = arith.constant 256000 : i32
      %add3A_415 = arith.addi %add3A_414, %add3A_353 : i32
      %add3A_416 = vector.broadcast %add3A_415 : i32 to vector<16xi32>
      %add3A_417 = arith.addi %mul3A_5, %add3A_416 : vector<16xi32>
      %swap3A_418 = arith.constant 32 : index
      %swap3A_419 = tpu.vector_load %arg15[%swap3A_418] {strides = array<i32>} : memref<128xi32, #tpu.memory_space<vmem>>, vector<16xi32>,
      tpu.vector_store %arg15[%swap3A_418], %add3A_417 {strides = array<i32>} : memref<128xi32, #tpu.memory_space<vmem>>, vector<16xi32>,
      %add3A_420 = arith.constant 281600 : i32
      %add3A_421 = arith.addi %add3A_420, %add3A_353 : i32
      %add3A_422 = vector.broadcast %add3A_421 : i32 to vector<16xi32>
      %add3A_423 = arith.addi %mul3A_5, %add3A_422 : vector<16xi32>
      %swap3A_424 = arith.constant 48 : index
      %swap3A_425 = tpu.vector_load %arg15[%swap3A_424] {strides = array<i32>} : memref<128xi32, #tpu.memory_space<vmem>>, vector<16xi32>,
      tpu.vector_store %arg15[%swap3A_424], %add3A_423 {strides = array<i32>} : memref<128xi32, #tpu.memory_space<vmem>>, vector<16xi32>,
      %add3A_426 = arith.constant 307200 : i32
      %add3A_427 = arith.addi %add3A_426, %add3A_353 : i32
      %add3A_428 = vector.broadcast %add3A_427 : i32 to vector<16xi32>
      %add3A_429 = arith.addi %mul3A_5, %add3A_428 : vector<16xi32>
      %swap3A_430 = arith.constant 64 : index
      %swap3A_431 = tpu.vector_load %arg15[%swap3A_430] {strides = array<i32>} : memref<128xi32, #tpu.memory_space<vmem>>, vector<16xi32>,
      tpu.vector_store %arg15[%swap3A_430], %add3A_429 {strides = array<i32>} : memref<128xi32, #tpu.memory_space<vmem>>, vector<16xi32>,
      %add3A_432 = arith.constant 332800 : i32
      %add3A_433 = arith.addi %add3A_432, %add3A_353 : i32
      %add3A_434 = vector.broadcast %add3A_433 : i32 to vector<16xi32>
      %add3A_435 = arith.addi %mul3A_5, %add3A_434 : vector<16xi32>
      %swap3A_436 = arith.constant 80 : index
      %swap3A_437 = tpu.vector_load %arg15[%swap3A_436] {strides = array<i32>} : memref<128xi32, #tpu.memory_space<vmem>>, vector<16xi32>,
      tpu.vector_store %arg15[%swap3A_436], %add3A_435 {strides = array<i32>} : memref<128xi32, #tpu.memory_space<vmem>>, vector<16xi32>,
      %add3A_438 = arith.constant 358400 : i32
      %add3A_439 = arith.addi %add3A_438, %add3A_353 : i32
      %add3A_440 = vector.broadcast %add3A_439 : i32 to vector<16xi32>
      %add3A_441 = arith.addi %mul3A_5, %add3A_440 : vector<16xi32>
      %swap3A_442 = arith.constant 96 : index
      %swap3A_443 = tpu.vector_load %arg15[%swap3A_442] {strides = array<i32>} : memref<128xi32, #tpu.memory_space<vmem>>, vector<16xi32>,
      tpu.vector_store %arg15[%swap3A_442], %add3A_441 {strides = array<i32>} : memref<128xi32, #tpu.memory_space<vmem>>, vector<16xi32>,
      %add3A_444 = arith.constant 384000 : i32
      %add3A_445 = arith.addi %add3A_444, %add3A_353 : i32
      %add3A_446 = vector.broadcast %add3A_445 : i32 to vector<16xi32>
      %add3A_447 = arith.addi %mul3A_5, %add3A_446 : vector<16xi32>
      %swap3A_448 = arith.constant 112 : index
      %swap3A_449 = tpu.vector_load %arg15[%swap3A_448] {strides = array<i32>} : memref<128xi32, #tpu.memory_space<vmem>>, vector<16xi32>,
      tpu.vector_store %arg15[%swap3A_448], %add3A_447 {strides = array<i32>} : memref<128xi32, #tpu.memory_space<vmem>>, vector<16xi32>,
      %add3A_450 = arith.constant 409600 : i32
      %add3A_451 = arith.addi %add3A_450, %add3A_353 : i32
      %add3A_452 = vector.broadcast %add3A_451 : i32 to vector<16xi32>
      %add3A_453 = arith.addi %mul3A_5, %add3A_452 : vector<16xi32>
      %swap3A_454 = arith.constant 0 : index
      %swap3A_455 = tpu.vector_load %arg16[%swap3A_454] {strides = array<i32>} : memref<44xi32, #tpu.memory_space<vmem>>, vector<16xi32>,
      tpu.vector_store %arg16[%swap3A_454], %add3A_453 {strides = array<i32>} : memref<44xi32, #tpu.memory_space<vmem>>, vector<16xi32>,
      %add3A_456 = arith.constant 435200 : i32
      %add3A_457 = arith.addi %add3A_456, %add3A_353 : i32
      %add3A_458 = vector.broadcast %add3A_457 : i32 to vector<16xi32>
      %add3A_459 = arith.addi %mul3A_5, %add3A_458 : vector<16xi32>
      %swap3A_460 = arith.constant 16 : index
      %swap3A_461 = tpu.vector_load %arg16[%swap3A_460] {strides = array<i32>} : memref<44xi32, #tpu.memory_space<vmem>>, vector<16xi32>,
      tpu.vector_store %arg16[%swap3A_460], %add3A_459 {strides = array<i32>} : memref<44xi32, #tpu.memory_space<vmem>>, vector<16xi32>,
      %add3A_462 = arith.constant 454400 : i32
      %add3A_463 = arith.addi %add3A_462, %add3A_353 : i32
      %add3A_464 = vector.broadcast %add3A_463 : i32 to vector<16xi32>
      %add3A_465 = arith.addi %mul3A_5, %add3A_464 : vector<16xi32>
      %swap3A_466 = arith.constant 28 : index
      %swap3A_467 = tpu.vector_load %arg16[%swap3A_466] {strides = array<i32>} : memref<44xi32, #tpu.memory_space<vmem>>, vector<16xi32>,
      tpu.vector_store %arg16[%swap3A_466], %add3A_465 {strides = array<i32>} : memref<44xi32, #tpu.memory_space<vmem>>, vector<16xi32>,
      %dma_wait3A_468 = arith.constant 0 : i32
      %dma_wait3A_469 = tpu.memref_slice %arg6[%dma_wait3A_468] : memref<128xi32, #tpu.memory_space<vmem>> -> memref<64xi32, #tpu.memory_space<vmem>>
      %dma_wait3A_470 = arith.constant 0 : i32
      %dma_wait3A_471 = arith.constant 0 : i32
      %dma_wait3A_472 = tpu.memref_slice %arg2[%dma_wait3A_470, %dma_wait3A_471] : memref<100008x304xf32, #tpu.memory_space<hbm>> -> memref<100008x304xf32, #tpu.memory_space<hbm>>
      tpu.wait_indirect_dma semaphore(%arg17 : memref<!tpu.dma_semaphore, #tpu.memory_space<semaphore_mem>>) src(%dma_wait3A_472 : memref<100008x304xf32, #tpu.memory_space<hbm>>) dst(%arg7 : memref<64x304xf32, #tpu.memory_space<vmem>>)
      %scan3A_473 = arith.constant 0 : i32
      %scan3A_474 = arith.constant 0 : i32
      %scan3A_475 = arith.constant 64 : i32
      %scan3A_476 = arith.addi %scan3A_474, %scan3A_475 : i32
      %scan3A_477 = arith.constant 1 : i32
      %scan3A_478 = scf.for %scan3A_511 = %scan3A_474 to %scan3A_476 step %scan3A_477 iter_args(%scan3A_512 = %scan3A_473) -> (i32)  : i32 {
        %add3A_513 = arith.constant 0 : i32
        %add3A_514 = arith.addi %scan3A_511, %add3A_513 : i32
        %broadcast_in_dim3A_515 = vector.broadcast %add3A_514 : i32 to vector<16xi32>
        %get3A = arith.index_cast %scan3A_511 : i32 to index
        %get3A_516 = arith.constant 0 : index
        %get3A_517 = tpu.vector_load %arg7[%get3A, %get3A_516] {strides = array<i32>} : memref<64x304xf32, #tpu.memory_space<vmem>>, vector<16xf32>,
        %add3A_518 = arith.constant 0 : i32
        %add3A_519 = vector.broadcast %add3A_518 : i32 to vector<16xi32>
        %add3A_520 = arith.addi %iota3A, %add3A_519 : vector<16xi32>
        tpu.vector_store_idx %arg10[%add3A_520, %broadcast_in_dim3A_515], %get3A_517 : memref<300x128xf32, #tpu.memory_space<vmem>>[vector<16xi32>, vector<16xi32>], vector<16xf32>,
        %get3A_521 = arith.index_cast %scan3A_511 : i32 to index
        %get3A_522 = arith.constant 16 : index
        %get3A_523 = tpu.vector_load %arg7[%get3A_521, %get3A_522] {strides = array<i32>} : memref<64x304xf32, #tpu.memory_space<vmem>>, vector<16xf32>,
        %add3A_524 = arith.constant 16 : i32
        %add3A_525 = vector.broadcast %add3A_524 : i32 to vector<16xi32>
        %add3A_526 = arith.addi %iota3A, %add3A_525 : vector<16xi32>
        tpu.vector_store_idx %arg10[%add3A_526, %broadcast_in_dim3A_515], %get3A_523 : memref<300x128xf32, #tpu.memory_space<vmem>>[vector<16xi32>, vector<16xi32>], vector<16xf32>,
        %get3A_527 = arith.index_cast %scan3A_511 : i32 to index
        %get3A_528 = arith.constant 32 : index
        %get3A_529 = tpu.vector_load %arg7[%get3A_527, %get3A_528] {strides = array<i32>} : memref<64x304xf32, #tpu.memory_space<vmem>>, vector<16xf32>,
        %add3A_530 = arith.constant 32 : i32
        %add3A_531 = vector.broadcast %add3A_530 : i32 to vector<16xi32>
        %add3A_532 = arith.addi %iota3A, %add3A_531 : vector<16xi32>
        tpu.vector_store_idx %arg10[%add3A_532, %broadcast_in_dim3A_515], %get3A_529 : memref<300x128xf32, #tpu.memory_space<vmem>>[vector<16xi32>, vector<16xi32>], vector<16xf32>,
        %get3A_533 = arith.index_cast %scan3A_511 : i32 to index
        %get3A_534 = arith.constant 48 : index
        %get3A_535 = tpu.vector_load %arg7[%get3A_533, %get3A_534] {strides = array<i32>} : memref<64x304xf32, #tpu.memory_space<vmem>>, vector<16xf32>,
        %add3A_536 = arith.constant 48 : i32
        %add3A_537 = vector.broadcast %add3A_536 : i32 to vector<16xi32>
        %add3A_538 = arith.addi %iota3A, %add3A_537 : vector<16xi32>
        tpu.vector_store_idx %arg10[%add3A_538, %broadcast_in_dim3A_515], %get3A_535 : memref<300x128xf32, #tpu.memory_space<vmem>>[vector<16xi32>, vector<16xi32>], vector<16xf32>,
        %get3A_539 = arith.index_cast %scan3A_511 : i32 to index
        %get3A_540 = arith.constant 64 : index
        %get3A_541 = tpu.vector_load %arg7[%get3A_539, %get3A_540] {strides = array<i32>} : memref<64x304xf32, #tpu.memory_space<vmem>>, vector<16xf32>,
        %add3A_542 = arith.constant 64 : i32
        %add3A_543 = vector.broadcast %add3A_542 : i32 to vector<16xi32>
        %add3A_544 = arith.addi %iota3A, %add3A_543 : vector<16xi32>
        tpu.vector_store_idx %arg10[%add3A_544, %broadcast_in_dim3A_515], %get3A_541 : memref<300x128xf32, #tpu.memory_space<vmem>>[vector<16xi32>, vector<16xi32>], vector<16xf32>,
        %get3A_545 = arith.index_cast %scan3A_511 : i32 to index
        %get3A_546 = arith.constant 80 : index
        %get3A_547 = tpu.vector_load %arg7[%get3A_545, %get3A_546] {strides = array<i32>} : memref<64x304xf32, #tpu.memory_space<vmem>>, vector<16xf32>,
        %add3A_548 = arith.constant 80 : i32
        %add3A_549 = vector.broadcast %add3A_548 : i32 to vector<16xi32>
        %add3A_550 = arith.addi %iota3A, %add3A_549 : vector<16xi32>
        tpu.vector_store_idx %arg10[%add3A_550, %broadcast_in_dim3A_515], %get3A_547 : memref<300x128xf32, #tpu.memory_space<vmem>>[vector<16xi32>, vector<16xi32>], vector<16xf32>,
        %get3A_551 = arith.index_cast %scan3A_511 : i32 to index
        %get3A_552 = arith.constant 96 : index
        %get3A_553 = tpu.vector_load %arg7[%get3A_551, %get3A_552] {strides = array<i32>} : memref<64x304xf32, #tpu.memory_space<vmem>>, vector<16xf32>,
        %add3A_554 = arith.constant 96 : i32
        %add3A_555 = vector.broadcast %add3A_554 : i32 to vector<16xi32>
        %add3A_556 = arith.addi %iota3A, %add3A_555 : vector<16xi32>
        tpu.vector_store_idx %arg10[%add3A_556, %broadcast_in_dim3A_515], %get3A_553 : memref<300x128xf32, #tpu.memory_space<vmem>>[vector<16xi32>, vector<16xi32>], vector<16xf32>,
        %get3A_557 = arith.index_cast %scan3A_511 : i32 to index
        %get3A_558 = arith.constant 112 : index
        %get3A_559 = tpu.vector_load %arg7[%get3A_557, %get3A_558] {strides = array<i32>} : memref<64x304xf32, #tpu.memory_space<vmem>>, vector<16xf32>,
        %add3A_560 = arith.constant 112 : i32
        %add3A_561 = vector.broadcast %add3A_560 : i32 to vector<16xi32>
        %add3A_562 = arith.addi %iota3A, %add3A_561 : vector<16xi32>
        tpu.vector_store_idx %arg10[%add3A_562, %broadcast_in_dim3A_515], %get3A_559 : memref<300x128xf32, #tpu.memory_space<vmem>>[vector<16xi32>, vector<16xi32>], vector<16xf32>,
        %get3A_563 = arith.index_cast %scan3A_511 : i32 to index
        %get3A_564 = arith.constant 128 : index
        %get3A_565 = tpu.vector_load %arg7[%get3A_563, %get3A_564] {strides = array<i32>} : memref<64x304xf32, #tpu.memory_space<vmem>>, vector<16xf32>,
        %add3A_566 = arith.constant 128 : i32
        %add3A_567 = vector.broadcast %add3A_566 : i32 to vector<16xi32>
        %add3A_568 = arith.addi %iota3A, %add3A_567 : vector<16xi32>
        tpu.vector_store_idx %arg10[%add3A_568, %broadcast_in_dim3A_515], %get3A_565 : memref<300x128xf32, #tpu.memory_space<vmem>>[vector<16xi32>, vector<16xi32>], vector<16xf32>,
        %get3A_569 = arith.index_cast %scan3A_511 : i32 to index
        %get3A_570 = arith.constant 144 : index
        %get3A_571 = tpu.vector_load %arg7[%get3A_569, %get3A_570] {strides = array<i32>} : memref<64x304xf32, #tpu.memory_space<vmem>>, vector<16xf32>,
        %add3A_572 = arith.constant 144 : i32
        %add3A_573 = vector.broadcast %add3A_572 : i32 to vector<16xi32>
        %add3A_574 = arith.addi %iota3A, %add3A_573 : vector<16xi32>
        tpu.vector_store_idx %arg10[%add3A_574, %broadcast_in_dim3A_515], %get3A_571 : memref<300x128xf32, #tpu.memory_space<vmem>>[vector<16xi32>, vector<16xi32>], vector<16xf32>,
        %get3A_575 = arith.index_cast %scan3A_511 : i32 to index
        %get3A_576 = arith.constant 160 : index
        %get3A_577 = tpu.vector_load %arg7[%get3A_575, %get3A_576] {strides = array<i32>} : memref<64x304xf32, #tpu.memory_space<vmem>>, vector<16xf32>,
        %add3A_578 = arith.constant 160 : i32
        %add3A_579 = vector.broadcast %add3A_578 : i32 to vector<16xi32>
        %add3A_580 = arith.addi %iota3A, %add3A_579 : vector<16xi32>
        tpu.vector_store_idx %arg10[%add3A_580, %broadcast_in_dim3A_515], %get3A_577 : memref<300x128xf32, #tpu.memory_space<vmem>>[vector<16xi32>, vector<16xi32>], vector<16xf32>,
        %get3A_581 = arith.index_cast %scan3A_511 : i32 to index
        %get3A_582 = arith.constant 176 : index
        %get3A_583 = tpu.vector_load %arg7[%get3A_581, %get3A_582] {strides = array<i32>} : memref<64x304xf32, #tpu.memory_space<vmem>>, vector<16xf32>,
        %add3A_584 = arith.constant 176 : i32
        %add3A_585 = vector.broadcast %add3A_584 : i32 to vector<16xi32>
        %add3A_586 = arith.addi %iota3A, %add3A_585 : vector<16xi32>
        tpu.vector_store_idx %arg10[%add3A_586, %broadcast_in_dim3A_515], %get3A_583 : memref<300x128xf32, #tpu.memory_space<vmem>>[vector<16xi32>, vector<16xi32>], vector<16xf32>,
        %get3A_587 = arith.index_cast %scan3A_511 : i32 to index
        %get3A_588 = arith.constant 192 : index
        %get3A_589 = tpu.vector_load %arg7[%get3A_587, %get3A_588] {strides = array<i32>} : memref<64x304xf32, #tpu.memory_space<vmem>>, vector<16xf32>,
        %add3A_590 = arith.constant 192 : i32
        %add3A_591 = vector.broadcast %add3A_590 : i32 to vector<16xi32>
        %add3A_592 = arith.addi %iota3A, %add3A_591 : vector<16xi32>
        tpu.vector_store_idx %arg10[%add3A_592, %broadcast_in_dim3A_515], %get3A_589 : memref<300x128xf32, #tpu.memory_space<vmem>>[vector<16xi32>, vector<16xi32>], vector<16xf32>,
        %get3A_593 = arith.index_cast %scan3A_511 : i32 to index
        %get3A_594 = arith.constant 208 : index
        %get3A_595 = tpu.vector_load %arg7[%get3A_593, %get3A_594] {strides = array<i32>} : memref<64x304xf32, #tpu.memory_space<vmem>>, vector<16xf32>,
        %add3A_596 = arith.constant 208 : i32
        %add3A_597 = vector.broadcast %add3A_596 : i32 to vector<16xi32>
        %add3A_598 = arith.addi %iota3A, %add3A_597 : vector<16xi32>
        tpu.vector_store_idx %arg10[%add3A_598, %broadcast_in_dim3A_515], %get3A_595 : memref<300x128xf32, #tpu.memory_space<vmem>>[vector<16xi32>, vector<16xi32>], vector<16xf32>,
        %get3A_599 = arith.index_cast %scan3A_511 : i32 to index
        %get3A_600 = arith.constant 224 : index
        %get3A_601 = tpu.vector_load %arg7[%get3A_599, %get3A_600] {strides = array<i32>} : memref<64x304xf32, #tpu.memory_space<vmem>>, vector<16xf32>,
        %add3A_602 = arith.constant 224 : i32
        %add3A_603 = vector.broadcast %add3A_602 : i32 to vector<16xi32>
        %add3A_604 = arith.addi %iota3A, %add3A_603 : vector<16xi32>
        tpu.vector_store_idx %arg10[%add3A_604, %broadcast_in_dim3A_515], %get3A_601 : memref<300x128xf32, #tpu.memory_space<vmem>>[vector<16xi32>, vector<16xi32>], vector<16xf32>,
        %get3A_605 = arith.index_cast %scan3A_511 : i32 to index
        %get3A_606 = arith.constant 240 : index
        %get3A_607 = tpu.vector_load %arg7[%get3A_605, %get3A_606] {strides = array<i32>} : memref<64x304xf32, #tpu.memory_space<vmem>>, vector<16xf32>,
        %add3A_608 = arith.constant 240 : i32
        %add3A_609 = vector.broadcast %add3A_608 : i32 to vector<16xi32>
        %add3A_610 = arith.addi %iota3A, %add3A_609 : vector<16xi32>
        tpu.vector_store_idx %arg10[%add3A_610, %broadcast_in_dim3A_515], %get3A_607 : memref<300x128xf32, #tpu.memory_space<vmem>>[vector<16xi32>, vector<16xi32>], vector<16xf32>,
        %get3A_611 = arith.index_cast %scan3A_511 : i32 to index
        %get3A_612 = arith.constant 256 : index
        %get3A_613 = tpu.vector_load %arg7[%get3A_611, %get3A_612] {strides = array<i32>} : memref<64x304xf32, #tpu.memory_space<vmem>>, vector<16xf32>,
        %add3A_614 = arith.constant 256 : i32
        %add3A_615 = vector.broadcast %add3A_614 : i32 to vector<16xi32>
        %add3A_616 = arith.addi %iota3A, %add3A_615 : vector<16xi32>
        tpu.vector_store_idx %arg10[%add3A_616, %broadcast_in_dim3A_515], %get3A_613 : memref<300x128xf32, #tpu.memory_space<vmem>>[vector<16xi32>, vector<16xi32>], vector<16xf32>,
        %get3A_617 = arith.index_cast %scan3A_511 : i32 to index
        %get3A_618 = arith.constant 272 : index
        %get3A_619 = tpu.vector_load %arg7[%get3A_617, %get3A_618] {strides = array<i32>} : memref<64x304xf32, #tpu.memory_space<vmem>>, vector<16xf32>,
        %add3A_620 = arith.constant 272 : i32
        %add3A_621 = vector.broadcast %add3A_620 : i32 to vector<16xi32>
        %add3A_622 = arith.addi %iota3A, %add3A_621 : vector<16xi32>
        tpu.vector_store_idx %arg10[%add3A_622, %broadcast_in_dim3A_515], %get3A_619 : memref<300x128xf32, #tpu.memory_space<vmem>>[vector<16xi32>, vector<16xi32>], vector<16xf32>,
        %get3A_623 = arith.index_cast %scan3A_511 : i32 to index
        %get3A_624 = arith.constant 284 : index
        %get3A_625 = tpu.vector_load %arg7[%get3A_623, %get3A_624] {strides = array<i32>} : memref<64x304xf32, #tpu.memory_space<vmem>>, vector<16xf32>,
        %add3A_626 = arith.constant 284 : i32
        %add3A_627 = vector.broadcast %add3A_626 : i32 to vector<16xi32>
        %add3A_628 = arith.addi %iota3A, %add3A_627 : vector<16xi32>
        tpu.vector_store_idx %arg10[%add3A_628, %broadcast_in_dim3A_515], %get3A_625 masked %ge3A_7 : memref<300x128xf32, #tpu.memory_space<vmem>>[vector<16xi32>, vector<16xi32>], vector<16xf32>, vector<16xi1>
        %scan3A_629 = arith.constant 0 : i32
        scf.yield %scan3A_629 : i32
      }
      %scan3A_479 = arith.constant 64 : i32
      %dma_wait3A_480 = arith.constant 64 : i32
      %dma_wait3A_481 = tpu.memref_slice %arg6[%dma_wait3A_480] : memref<128xi32, #tpu.memory_space<vmem>> -> memref<64xi32, #tpu.memory_space<vmem>>
      %dma_wait3A_482 = arith.constant 0 : i32
      %dma_wait3A_483 = arith.constant 0 : i32
      %dma_wait3A_484 = tpu.memref_slice %arg2[%dma_wait3A_482, %dma_wait3A_483] : memref<100008x304xf32, #tpu.memory_space<hbm>> -> memref<100008x304xf32, #tpu.memory_space<hbm>>
      tpu.wait_indirect_dma semaphore(%arg17 : memref<!tpu.dma_semaphore, #tpu.memory_space<semaphore_mem>>) src(%dma_wait3A_484 : memref<100008x304xf32, #tpu.memory_space<hbm>>) dst(%arg8 : memref<64x304xf32, #tpu.memory_space<vmem>>)
      %scan3A_485 = arith.constant 0 : i32
      %scan3A_486 = arith.constant 0 : i32
      %scan3A_487 = arith.constant 64 : i32
      %scan3A_488 = arith.addi %scan3A_486, %scan3A_487 : i32
      %scan3A_489 = arith.constant 1 : i32
      %scan3A_490 = scf.for %scan3A_511 = %scan3A_486 to %scan3A_488 step %scan3A_489 iter_args(%scan3A_512 = %scan3A_485) -> (i32)  : i32 {
        %add3A_513 = arith.constant 64 : i32
        %add3A_514 = arith.addi %scan3A_511, %add3A_513 : i32
        %broadcast_in_dim3A_515 = vector.broadcast %add3A_514 : i32 to vector<16xi32>
        %get3A = arith.index_cast %scan3A_511 : i32 to index
        %get3A_516 = arith.constant 0 : index
        %get3A_517 = tpu.vector_load %arg8[%get3A, %get3A_516] {strides = array<i32>} : memref<64x304xf32, #tpu.memory_space<vmem>>, vector<16xf32>,
        %add3A_518 = arith.constant 0 : i32
        %add3A_519 = vector.broadcast %add3A_518 : i32 to vector<16xi32>
        %add3A_520 = arith.addi %iota3A, %add3A_519 : vector<16xi32>
        tpu.vector_store_idx %arg10[%add3A_520, %broadcast_in_dim3A_515], %get3A_517 : memref<300x128xf32, #tpu.memory_space<vmem>>[vector<16xi32>, vector<16xi32>], vector<16xf32>,
        %get3A_521 = arith.index_cast %scan3A_511 : i32 to index
        %get3A_522 = arith.constant 16 : index
        %get3A_523 = tpu.vector_load %arg8[%get3A_521, %get3A_522] {strides = array<i32>} : memref<64x304xf32, #tpu.memory_space<vmem>>, vector<16xf32>,
        %add3A_524 = arith.constant 16 : i32
        %add3A_525 = vector.broadcast %add3A_524 : i32 to vector<16xi32>
        %add3A_526 = arith.addi %iota3A, %add3A_525 : vector<16xi32>
        tpu.vector_store_idx %arg10[%add3A_526, %broadcast_in_dim3A_515], %get3A_523 : memref<300x128xf32, #tpu.memory_space<vmem>>[vector<16xi32>, vector<16xi32>], vector<16xf32>,
        %get3A_527 = arith.index_cast %scan3A_511 : i32 to index
        %get3A_528 = arith.constant 32 : index
        %get3A_529 = tpu.vector_load %arg8[%get3A_527, %get3A_528] {strides = array<i32>} : memref<64x304xf32, #tpu.memory_space<vmem>>, vector<16xf32>,
        %add3A_530 = arith.constant 32 : i32
        %add3A_531 = vector.broadcast %add3A_530 : i32 to vector<16xi32>
        %add3A_532 = arith.addi %iota3A, %add3A_531 : vector<16xi32>
        tpu.vector_store_idx %arg10[%add3A_532, %broadcast_in_dim3A_515], %get3A_529 : memref<300x128xf32, #tpu.memory_space<vmem>>[vector<16xi32>, vector<16xi32>], vector<16xf32>,
        %get3A_533 = arith.index_cast %scan3A_511 : i32 to index
        %get3A_534 = arith.constant 48 : index
        %get3A_535 = tpu.vector_load %arg8[%get3A_533, %get3A_534] {strides = array<i32>} : memref<64x304xf32, #tpu.memory_space<vmem>>, vector<16xf32>,
        %add3A_536 = arith.constant 48 : i32
        %add3A_537 = vector.broadcast %add3A_536 : i32 to vector<16xi32>
        %add3A_538 = arith.addi %iota3A, %add3A_537 : vector<16xi32>
        tpu.vector_store_idx %arg10[%add3A_538, %broadcast_in_dim3A_515], %get3A_535 : memref<300x128xf32, #tpu.memory_space<vmem>>[vector<16xi32>, vector<16xi32>], vector<16xf32>,
        %get3A_539 = arith.index_cast %scan3A_511 : i32 to index
        %get3A_540 = arith.constant 64 : index
        %get3A_541 = tpu.vector_load %arg8[%get3A_539, %get3A_540] {strides = array<i32>} : memref<64x304xf32, #tpu.memory_space<vmem>>, vector<16xf32>,
        %add3A_542 = arith.constant 64 : i32
        %add3A_543 = vector.broadcast %add3A_542 : i32 to vector<16xi32>
        %add3A_544 = arith.addi %iota3A, %add3A_543 : vector<16xi32>
        tpu.vector_store_idx %arg10[%add3A_544, %broadcast_in_dim3A_515], %get3A_541 : memref<300x128xf32, #tpu.memory_space<vmem>>[vector<16xi32>, vector<16xi32>], vector<16xf32>,
        %get3A_545 = arith.index_cast %scan3A_511 : i32 to index
        %get3A_546 = arith.constant 80 : index
        %get3A_547 = tpu.vector_load %arg8[%get3A_545, %get3A_546] {strides = array<i32>} : memref<64x304xf32, #tpu.memory_space<vmem>>, vector<16xf32>,
        %add3A_548 = arith.constant 80 : i32
        %add3A_549 = vector.broadcast %add3A_548 : i32 to vector<16xi32>
        %add3A_550 = arith.addi %iota3A, %add3A_549 : vector<16xi32>
        tpu.vector_store_idx %arg10[%add3A_550, %broadcast_in_dim3A_515], %get3A_547 : memref<300x128xf32, #tpu.memory_space<vmem>>[vector<16xi32>, vector<16xi32>], vector<16xf32>,
        %get3A_551 = arith.index_cast %scan3A_511 : i32 to index
        %get3A_552 = arith.constant 96 : index
        %get3A_553 = tpu.vector_load %arg8[%get3A_551, %get3A_552] {strides = array<i32>} : memref<64x304xf32, #tpu.memory_space<vmem>>, vector<16xf32>,
        %add3A_554 = arith.constant 96 : i32
        %add3A_555 = vector.broadcast %add3A_554 : i32 to vector<16xi32>
        %add3A_556 = arith.addi %iota3A, %add3A_555 : vector<16xi32>
        tpu.vector_store_idx %arg10[%add3A_556, %broadcast_in_dim3A_515], %get3A_553 : memref<300x128xf32, #tpu.memory_space<vmem>>[vector<16xi32>, vector<16xi32>], vector<16xf32>,
        %get3A_557 = arith.index_cast %scan3A_511 : i32 to index
        %get3A_558 = arith.constant 112 : index
        %get3A_559 = tpu.vector_load %arg8[%get3A_557, %get3A_558] {strides = array<i32>} : memref<64x304xf32, #tpu.memory_space<vmem>>, vector<16xf32>,
        %add3A_560 = arith.constant 112 : i32
        %add3A_561 = vector.broadcast %add3A_560 : i32 to vector<16xi32>
        %add3A_562 = arith.addi %iota3A, %add3A_561 : vector<16xi32>
        tpu.vector_store_idx %arg10[%add3A_562, %broadcast_in_dim3A_515], %get3A_559 : memref<300x128xf32, #tpu.memory_space<vmem>>[vector<16xi32>, vector<16xi32>], vector<16xf32>,
        %get3A_563 = arith.index_cast %scan3A_511 : i32 to index
        %get3A_564 = arith.constant 128 : index
        %get3A_565 = tpu.vector_load %arg8[%get3A_563, %get3A_564] {strides = array<i32>} : memref<64x304xf32, #tpu.memory_space<vmem>>, vector<16xf32>,
        %add3A_566 = arith.constant 128 : i32
        %add3A_567 = vector.broadcast %add3A_566 : i32 to vector<16xi32>
        %add3A_568 = arith.addi %iota3A, %add3A_567 : vector<16xi32>
        tpu.vector_store_idx %arg10[%add3A_568, %broadcast_in_dim3A_515], %get3A_565 : memref<300x128xf32, #tpu.memory_space<vmem>>[vector<16xi32>, vector<16xi32>], vector<16xf32>,
        %get3A_569 = arith.index_cast %scan3A_511 : i32 to index
        %get3A_570 = arith.constant 144 : index
        %get3A_571 = tpu.vector_load %arg8[%get3A_569, %get3A_570] {strides = array<i32>} : memref<64x304xf32, #tpu.memory_space<vmem>>, vector<16xf32>,
        %add3A_572 = arith.constant 144 : i32
        %add3A_573 = vector.broadcast %add3A_572 : i32 to vector<16xi32>
        %add3A_574 = arith.addi %iota3A, %add3A_573 : vector<16xi32>
        tpu.vector_store_idx %arg10[%add3A_574, %broadcast_in_dim3A_515], %get3A_571 : memref<300x128xf32, #tpu.memory_space<vmem>>[vector<16xi32>, vector<16xi32>], vector<16xf32>,
        %get3A_575 = arith.index_cast %scan3A_511 : i32 to index
        %get3A_576 = arith.constant 160 : index
        %get3A_577 = tpu.vector_load %arg8[%get3A_575, %get3A_576] {strides = array<i32>} : memref<64x304xf32, #tpu.memory_space<vmem>>, vector<16xf32>,
        %add3A_578 = arith.constant 160 : i32
        %add3A_579 = vector.broadcast %add3A_578 : i32 to vector<16xi32>
        %add3A_580 = arith.addi %iota3A, %add3A_579 : vector<16xi32>
        tpu.vector_store_idx %arg10[%add3A_580, %broadcast_in_dim3A_515], %get3A_577 : memref<300x128xf32, #tpu.memory_space<vmem>>[vector<16xi32>, vector<16xi32>], vector<16xf32>,
        %get3A_581 = arith.index_cast %scan3A_511 : i32 to index
        %get3A_582 = arith.constant 176 : index
        %get3A_583 = tpu.vector_load %arg8[%get3A_581, %get3A_582] {strides = array<i32>} : memref<64x304xf32, #tpu.memory_space<vmem>>, vector<16xf32>,
        %add3A_584 = arith.constant 176 : i32
        %add3A_585 = vector.broadcast %add3A_584 : i32 to vector<16xi32>
        %add3A_586 = arith.addi %iota3A, %add3A_585 : vector<16xi32>
        tpu.vector_store_idx %arg10[%add3A_586, %broadcast_in_dim3A_515], %get3A_583 : memref<300x128xf32, #tpu.memory_space<vmem>>[vector<16xi32>, vector<16xi32>], vector<16xf32>,
        %get3A_587 = arith.index_cast %scan3A_511 : i32 to index
        %get3A_588 = arith.constant 192 : index
        %get3A_589 = tpu.vector_load %arg8[%get3A_587, %get3A_588] {strides = array<i32>} : memref<64x304xf32, #tpu.memory_space<vmem>>, vector<16xf32>,
        %add3A_590 = arith.constant 192 : i32
        %add3A_591 = vector.broadcast %add3A_590 : i32 to vector<16xi32>
        %add3A_592 = arith.addi %iota3A, %add3A_591 : vector<16xi32>
        tpu.vector_store_idx %arg10[%add3A_592, %broadcast_in_dim3A_515], %get3A_589 : memref<300x128xf32, #tpu.memory_space<vmem>>[vector<16xi32>, vector<16xi32>], vector<16xf32>,
        %get3A_593 = arith.index_cast %scan3A_511 : i32 to index
        %get3A_594 = arith.constant 208 : index
        %get3A_595 = tpu.vector_load %arg8[%get3A_593, %get3A_594] {strides = array<i32>} : memref<64x304xf32, #tpu.memory_space<vmem>>, vector<16xf32>,
        %add3A_596 = arith.constant 208 : i32
        %add3A_597 = vector.broadcast %add3A_596 : i32 to vector<16xi32>
        %add3A_598 = arith.addi %iota3A, %add3A_597 : vector<16xi32>
        tpu.vector_store_idx %arg10[%add3A_598, %broadcast_in_dim3A_515], %get3A_595 : memref<300x128xf32, #tpu.memory_space<vmem>>[vector<16xi32>, vector<16xi32>], vector<16xf32>,
        %get3A_599 = arith.index_cast %scan3A_511 : i32 to index
        %get3A_600 = arith.constant 224 : index
        %get3A_601 = tpu.vector_load %arg8[%get3A_599, %get3A_600] {strides = array<i32>} : memref<64x304xf32, #tpu.memory_space<vmem>>, vector<16xf32>,
        %add3A_602 = arith.constant 224 : i32
        %add3A_603 = vector.broadcast %add3A_602 : i32 to vector<16xi32>
        %add3A_604 = arith.addi %iota3A, %add3A_603 : vector<16xi32>
        tpu.vector_store_idx %arg10[%add3A_604, %broadcast_in_dim3A_515], %get3A_601 : memref<300x128xf32, #tpu.memory_space<vmem>>[vector<16xi32>, vector<16xi32>], vector<16xf32>,
        %get3A_605 = arith.index_cast %scan3A_511 : i32 to index
        %get3A_606 = arith.constant 240 : index
        %get3A_607 = tpu.vector_load %arg8[%get3A_605, %get3A_606] {strides = array<i32>} : memref<64x304xf32, #tpu.memory_space<vmem>>, vector<16xf32>,
        %add3A_608 = arith.constant 240 : i32
        %add3A_609 = vector.broadcast %add3A_608 : i32 to vector<16xi32>
        %add3A_610 = arith.addi %iota3A, %add3A_609 : vector<16xi32>
        tpu.vector_store_idx %arg10[%add3A_610, %broadcast_in_dim3A_515], %get3A_607 : memref<300x128xf32, #tpu.memory_space<vmem>>[vector<16xi32>, vector<16xi32>], vector<16xf32>,
        %get3A_611 = arith.index_cast %scan3A_511 : i32 to index
        %get3A_612 = arith.constant 256 : index
        %get3A_613 = tpu.vector_load %arg8[%get3A_611, %get3A_612] {strides = array<i32>} : memref<64x304xf32, #tpu.memory_space<vmem>>, vector<16xf32>,
        %add3A_614 = arith.constant 256 : i32
        %add3A_615 = vector.broadcast %add3A_614 : i32 to vector<16xi32>
        %add3A_616 = arith.addi %iota3A, %add3A_615 : vector<16xi32>
        tpu.vector_store_idx %arg10[%add3A_616, %broadcast_in_dim3A_515], %get3A_613 : memref<300x128xf32, #tpu.memory_space<vmem>>[vector<16xi32>, vector<16xi32>], vector<16xf32>,
        %get3A_617 = arith.index_cast %scan3A_511 : i32 to index
        %get3A_618 = arith.constant 272 : index
        %get3A_619 = tpu.vector_load %arg8[%get3A_617, %get3A_618] {strides = array<i32>} : memref<64x304xf32, #tpu.memory_space<vmem>>, vector<16xf32>,
        %add3A_620 = arith.constant 272 : i32
        %add3A_621 = vector.broadcast %add3A_620 : i32 to vector<16xi32>
        %add3A_622 = arith.addi %iota3A, %add3A_621 : vector<16xi32>
        tpu.vector_store_idx %arg10[%add3A_622, %broadcast_in_dim3A_515], %get3A_619 : memref<300x128xf32, #tpu.memory_space<vmem>>[vector<16xi32>, vector<16xi32>], vector<16xf32>,
        %get3A_623 = arith.index_cast %scan3A_511 : i32 to index
        %get3A_624 = arith.constant 284 : index
        %get3A_625 = tpu.vector_load %arg8[%get3A_623, %get3A_624] {strides = array<i32>} : memref<64x304xf32, #tpu.memory_space<vmem>>, vector<16xf32>,
        %add3A_626 = arith.constant 284 : i32
        %add3A_627 = vector.broadcast %add3A_626 : i32 to vector<16xi32>
        %add3A_628 = arith.addi %iota3A, %add3A_627 : vector<16xi32>
        tpu.vector_store_idx %arg10[%add3A_628, %broadcast_in_dim3A_515], %get3A_625 masked %ge3A_7 : memref<300x128xf32, #tpu.memory_space<vmem>>[vector<16xi32>, vector<16xi32>], vector<16xf32>, vector<16xi1>
        %scan3A_629 = arith.constant 0 : i32
        scf.yield %scan3A_629 : i32
      }
      %scan3A_491 = arith.constant 64 : i32
      %dma_start3A_492 = arith.constant 0 : i32
      %dma_start3A_493 = arith.constant 0 : i32
      %dma_start3A_494 = tpu.memref_slice %arg10[%dma_start3A_492, %dma_start3A_493] : memref<300x128xf32, #tpu.memory_space<vmem>> -> memref<128x128xf32, #tpu.memory_space<vmem>>
      %dma_start3A_495 = arith.constant 0 : i32
      %dma_start3A_496 = arith.constant 0 : i32
      %dma_start3A_497 = tpu.memref_slice %arg4[%dma_start3A_495, %dma_start3A_496] : memref<480000x128xf32, #tpu.memory_space<hbm>> -> memref<480000x128xf32, #tpu.memory_space<hbm>>
      tpu.enqueue_indirect_dma source(%dma_start3A_494 : memref<128x128xf32, #tpu.memory_space<vmem>>) target(%dma_start3A_497 : memref<480000x128xf32, #tpu.memory_space<hbm>>) offsets(%arg14 : memref<128xi32, #tpu.memory_space<vmem>>) semaphore(%arg19 : memref<!tpu.dma_semaphore, #tpu.memory_space<semaphore_mem>>)
      %dma_start3A_498 = arith.constant 128 : i32
      %dma_start3A_499 = arith.constant 0 : i32
      %dma_start3A_500 = tpu.memref_slice %arg10[%dma_start3A_498, %dma_start3A_499] : memref<300x128xf32, #tpu.memory_space<vmem>> -> memref<128x128xf32, #tpu.memory_space<vmem>>
      %dma_start3A_501 = arith.constant 0 : i32
      %dma_start3A_502 = arith.constant 0 : i32
      %dma_start3A_503 = tpu.memref_slice %arg4[%dma_start3A_501, %dma_start3A_502] : memref<480000x128xf32, #tpu.memory_space<hbm>> -> memref<480000x128xf32, #tpu.memory_space<hbm>>
      tpu.enqueue_indirect_dma source(%dma_start3A_500 : memref<128x128xf32, #tpu.memory_space<vmem>>) target(%dma_start3A_503 : memref<480000x128xf32, #tpu.memory_space<hbm>>) offsets(%arg15 : memref<128xi32, #tpu.memory_space<vmem>>) semaphore(%arg19 : memref<!tpu.dma_semaphore, #tpu.memory_space<semaphore_mem>>)
      %dma_start3A_504 = arith.constant 256 : i32
      %dma_start3A_505 = arith.constant 0 : i32
      %dma_start3A_506 = tpu.memref_slice %arg10[%dma_start3A_504, %dma_start3A_505] : memref<300x128xf32, #tpu.memory_space<vmem>> -> memref<44x128xf32, #tpu.memory_space<vmem>>
      %dma_start3A_507 = arith.constant 0 : i32
      %dma_start3A_508 = arith.constant 0 : i32
      %dma_start3A_509 = tpu.memref_slice %arg4[%dma_start3A_507, %dma_start3A_508] : memref<480000x128xf32, #tpu.memory_space<hbm>> -> memref<480000x128xf32, #tpu.memory_space<hbm>>
      tpu.enqueue_indirect_dma source(%dma_start3A_506 : memref<44x128xf32, #tpu.memory_space<vmem>>) target(%dma_start3A_509 : memref<480000x128xf32, #tpu.memory_space<hbm>>) offsets(%arg16 : memref<44xi32, #tpu.memory_space<vmem>>) semaphore(%arg19 : memref<!tpu.dma_semaphore, #tpu.memory_space<semaphore_mem>>)
      %scan3A_510 = arith.constant 0 : i32
      scf.yield %scan3A_510 : i32
    }
    %scan3A_13 = arith.constant 25 : i32
    %dma_wait3A = arith.constant 0 : i32
    %dma_wait3A_14 = arith.constant 0 : i32
    %dma_wait3A_15 = tpu.memref_slice %arg9[%dma_wait3A, %dma_wait3A_14] : memref<300x128xf32, #tpu.memory_space<vmem>> -> memref<128x128xf32, #tpu.memory_space<vmem>>
    %dma_wait3A_16 = arith.constant 0 : i32
    %dma_wait3A_17 = arith.constant 0 : i32
    %dma_wait3A_18 = tpu.memref_slice %arg4[%dma_wait3A_16, %dma_wait3A_17] : memref<480000x128xf32, #tpu.memory_space<hbm>> -> memref<480000x128xf32, #tpu.memory_space<hbm>>
    tpu.wait_indirect_dma semaphore(%arg18 : memref<!tpu.dma_semaphore, #tpu.memory_space<semaphore_mem>>) src(%dma_wait3A_15 : memref<128x128xf32, #tpu.memory_space<vmem>>) dst(%dma_wait3A_18 : memref<480000x128xf32, #tpu.memory_space<hbm>>)
    %dma_wait3A_19 = arith.constant 128 : i32
    %dma_wait3A_20 = arith.constant 0 : i32
    %dma_wait3A_21 = tpu.memref_slice %arg9[%dma_wait3A_19, %dma_wait3A_20] : memref<300x128xf32, #tpu.memory_space<vmem>> -> memref<128x128xf32, #tpu.memory_space<vmem>>
    %dma_wait3A_22 = arith.constant 0 : i32
    %dma_wait3A_23 = arith.constant 0 : i32
    %dma_wait3A_24 = tpu.memref_slice %arg4[%dma_wait3A_22, %dma_wait3A_23] : memref<480000x128xf32, #tpu.memory_space<hbm>> -> memref<480000x128xf32, #tpu.memory_space<hbm>>
    tpu.wait_indirect_dma semaphore(%arg18 : memref<!tpu.dma_semaphore, #tpu.memory_space<semaphore_mem>>) src(%dma_wait3A_21 : memref<128x128xf32, #tpu.memory_space<vmem>>) dst(%dma_wait3A_24 : memref<480000x128xf32, #tpu.memory_space<hbm>>)
    %dma_wait3A_25 = arith.constant 256 : i32
    %dma_wait3A_26 = arith.constant 0 : i32
    %dma_wait3A_27 = tpu.memref_slice %arg9[%dma_wait3A_25, %dma_wait3A_26] : memref<300x128xf32, #tpu.memory_space<vmem>> -> memref<44x128xf32, #tpu.memory_space<vmem>>
    %dma_wait3A_28 = arith.constant 0 : i32
    %dma_wait3A_29 = arith.constant 0 : i32
    %dma_wait3A_30 = tpu.memref_slice %arg4[%dma_wait3A_28, %dma_wait3A_29] : memref<480000x128xf32, #tpu.memory_space<hbm>> -> memref<480000x128xf32, #tpu.memory_space<hbm>>
    tpu.wait_indirect_dma semaphore(%arg18 : memref<!tpu.dma_semaphore, #tpu.memory_space<semaphore_mem>>) src(%dma_wait3A_27 : memref<44x128xf32, #tpu.memory_space<vmem>>) dst(%dma_wait3A_30 : memref<480000x128xf32, #tpu.memory_space<hbm>>)
    %dma_wait3A_31 = arith.constant 0 : i32
    %dma_wait3A_32 = arith.constant 0 : i32
    %dma_wait3A_33 = tpu.memref_slice %arg10[%dma_wait3A_31, %dma_wait3A_32] : memref<300x128xf32, #tpu.memory_space<vmem>> -> memref<128x128xf32, #tpu.memory_space<vmem>>
    %dma_wait3A_34 = arith.constant 0 : i32
    %dma_wait3A_35 = arith.constant 0 : i32
    %dma_wait3A_36 = tpu.memref_slice %arg4[%dma_wait3A_34, %dma_wait3A_35] : memref<480000x128xf32, #tpu.memory_space<hbm>> -> memref<480000x128xf32, #tpu.memory_space<hbm>>
    tpu.wait_indirect_dma semaphore(%arg19 : memref<!tpu.dma_semaphore, #tpu.memory_space<semaphore_mem>>) src(%dma_wait3A_33 : memref<128x128xf32, #tpu.memory_space<vmem>>) dst(%dma_wait3A_36 : memref<480000x128xf32, #tpu.memory_space<hbm>>)
    %dma_wait3A_37 = arith.constant 128 : i32
    %dma_wait3A_38 = arith.constant 0 : i32
    %dma_wait3A_39 = tpu.memref_slice %arg10[%dma_wait3A_37, %dma_wait3A_38] : memref<300x128xf32, #tpu.memory_space<vmem>> -> memref<128x128xf32, #tpu.memory_space<vmem>>
    %dma_wait3A_40 = arith.constant 0 : i32
    %dma_wait3A_41 = arith.constant 0 : i32
    %dma_wait3A_42 = tpu.memref_slice %arg4[%dma_wait3A_40, %dma_wait3A_41] : memref<480000x128xf32, #tpu.memory_space<hbm>> -> memref<480000x128xf32, #tpu.memory_space<hbm>>
    tpu.wait_indirect_dma semaphore(%arg19 : memref<!tpu.dma_semaphore, #tpu.memory_space<semaphore_mem>>) src(%dma_wait3A_39 : memref<128x128xf32, #tpu.memory_space<vmem>>) dst(%dma_wait3A_42 : memref<480000x128xf32, #tpu.memory_space<hbm>>)
    %dma_wait3A_43 = arith.constant 256 : i32
    %dma_wait3A_44 = arith.constant 0 : i32
    %dma_wait3A_45 = tpu.memref_slice %arg10[%dma_wait3A_43, %dma_wait3A_44] : memref<300x128xf32, #tpu.memory_space<vmem>> -> memref<44x128xf32, #tpu.memory_space<vmem>>
    %dma_wait3A_46 = arith.constant 0 : i32
    %dma_wait3A_47 = arith.constant 0 : i32
    %dma_wait3A_48 = tpu.memref_slice %arg4[%dma_wait3A_46, %dma_wait3A_47] : memref<480000x128xf32, #tpu.memory_space<hbm>> -> memref<480000x128xf32, #tpu.memory_space<hbm>>
    tpu.wait_indirect_dma semaphore(%arg19 : memref<!tpu.dma_semaphore, #tpu.memory_space<semaphore_mem>>) src(%dma_wait3A_45 : memref<44x128xf32, #tpu.memory_space<vmem>>) dst(%dma_wait3A_48 : memref<480000x128xf32, #tpu.memory_space<hbm>>)
    return
  }
}

</mosaic_0001>

<sc_bundles>
// kernel: embed_gather_transpose.3.cloned.1.call-start
scs
__scs_entry_jumppad:
0x0: {  	(pc) =	sbr.rel $0x88, $3  }
0x1: {  	(tag) =	ssettag $0x0;
	lr =	simm.s32 $0x1  }
0x2: {  	[smem:$0x3F9F] =	sst lr;
	_ =	strace $0xD0000000  }
0x3: {  	_ = 	snop  }
0x4: {  	_ = 	snop  }
0x5: {  	_ = 	snop  }
0x6: {  	_ = 	snop  }
0x7: {  	_ = 	snop  }
__scs_overlays_trampoline_lowered:
0x8: {  	[smem:$0x3FAE] =	sst s0  }
0x9: {  	[smem:$0x3FAF] =	sst s1  }
0xa: {  	[smem:$0x3FB0] =	sst s2  }
0xb: {  	[smem:$0x3FB1] =	sst s3  }
0xc: {  	[smem:$0x3FB2] =	sst s4  }
0xd: {  	[smem:$0x3FB3] =	sst s5  }
0xe: {  	[smem:$0x3FB4] =	sst s6  }
0xf: {  	[smem:$0x3FB5] =	sst s7  }
0x10: {  	[smem:$0x3FB6] =	sst s8  }
0x11: {  	[smem:$0x3FB7] =	sst s9;
	s0 =	simm.s32 @!p0 $0x0  }
0x12: {  	s1 =	sld [smem:$0x3F9D];
	s0 =	simm.s32 @p0 $0x1  }
0x13: {  	[smem:$0x3FB8] =	sst s0;
	s0 =	simm.s32 @!p1 $0x0  }
0x14: {  	s2 =	sld [smem:$0x3F9C];
	s0 =	simm.s32 @p1 $0x1  }
0x15: {  	[smem:$0x3FB9] =	sst s0;
	s0 =	simm.s32 @!p2 $0x0  }
0x16: {  	s3 =	sld [smem:$0x3FDB];
	s0 =	simm.s32 @p2 $0x1  }
0x17: {  	s4 =	simm.s32 $0x1BF5;
	[smem:$0x3FBB] =	sst s0  }
0x18: {  	s0 =	sld [smem:$0x3F9E];
	_ =	swait.ge [sflag:s4], $0x0  }
0x19: {  	s7 =	sld [smem:$0x3F9F]  }
0x1a: {  	s8 =	sadd.s32 $0xFFFFE003, lr  }
0x1b: {  	s9 =	sadd.s32 $0xFFFFFEF7, lr;
	s5 =	simm.s32 $0xFFFFFFFF;
	p2 =	slt.u32 s8, $0xFFFFF086  }
0x1c: {  	p1 =	slt.u32 s9, $0xF7A;
	s5 =	simm.s32 @!p2 $0x0  }
0x1d: {  	s5 =	simm.s32 @p1 $0x1;
	p0 =	seq.s32 s7, s2  }
0x1e: {  	s7 =	smul.u32 @!p0 $0xF7A, s2;
	p2 =	seq.s32 @!p0 s5, $0x0  }
0x1f: {  	s9 =	smul.u32 $0xF7A, s1;
	s8 =	simm.s32 @!p0 $0x1BF5;
	p2 =	por !p2, p0  }
0x20: {  	[sflag:s8] =	ssyncset.s32 @!p0 $0xFFFFF086;
	s6 =	sadd.s32 @!p0 s3, s7;
	s7 =	simm.s32 @!p0 $0x108  }
0x21: {  	s3 =	sadd.s32 s3, s9;
	s6 =	sadd.s32 @!p0 $0x88, s6;
	s7 =	simm.s32 @p2 $0x1082  }
0x22: {  	[simem:s7], [sflag:s8] =	dma.local @!p0 [hbm:s6], $0xF7A  }
0x23: {  	s9 =	sor.u32 $0xD0000000, s2;
	s6 =	simm.s32 $0x108;
	_ =	swait.ge @!p0 [sflag:s8], $0x0  }
0x24: {  	s3 =	sadd.s32 $0x88, s3;
	s6 =	simm.s32 @!p1 $0x1082;
	[sflag:s4] =	ssyncset.s32 $0xFFFFF086  }
0x25: {  	[simem:s6], [sflag:s4] =	dma.local [hbm:s3], $0xF7A  }
0x26: {  	[smem:$0x3F9F] =	sst s1;
	(tag) =	ssettag s2;
	_ =	strace s9  }
0x27: {  	s1 =	sld [smem:$0x3FAF]  }
0x28: {  	s2 =	sld [smem:$0x3FB0]  }
0x29: {  	s4 =	sld [smem:$0x3FB2]  }
0x2a: {  	p0 =	seq.s32 s5, $0x0;
	s5 =	sld [smem:$0x3FB3]  }
0x2b: {  	s6 =	sld [smem:$0x3FB4]  }
0x2c: {  	s7 =	sld [smem:$0x3FB5]  }
0x2d: {  	s3 =	simm.s32 $0x108;
	s8 =	sld [smem:$0x3FB6]  }
0x2e: {  	s3 =	simm.s32 @!p0 $0x1082;
	s9 =	sld [smem:$0x3FB7]  }
0x2f: {  	lr =	sadd.s32 s0, s3;
	s0 =	sld [smem:$0x3FAE]  }
0x30: {  	s3 =	sld [smem:$0x3FB1]  }
0x31: {  	[smem:$0x3FBA] =	sst s10  }
0x32: {  	s10 =	sld [smem:$0x3FB8];
	_ =	sdelay $0x3  }
0x33: {  	p0 =	seq.s32 s10, $0x1;
	s10 =	sld [smem:$0x3FBA];
	_ =	sdelay $0x3  }
0x34: {  	[smem:$0x3FBA] =	sst s10  }
0x35: {  	s10 =	sld [smem:$0x3FB9];
	_ =	sdelay $0x3  }
0x36: {  	p1 =	seq.s32 s10, $0x1;
	s10 =	sld [smem:$0x3FBA];
	_ =	sdelay $0x3  }
0x37: {  	[smem:$0x3FBA] =	sst s10  }
0x38: {  	s10 =	sld [smem:$0x3FBB]  }
0x39: {  	_ = 	snop;
	(pc) =	sbr.ind lr, $3  }
0x3a: {  	_ = 	snop  }
0x3b: {  	_ = 	snop  }
0x3c: {  	p2 =	seq.s32 s10, $0x1;
	s10 =	sld [smem:$0x3FBA]  }
0x3d: {  	_ =	shalt  }
0x3e: {  	_ =	shalt  }
0x3f: {  	_ =	shalt  }
0x40: {  	_ =	shalt  }
0x41: {  	_ =	shalt  }
0x42: {  	_ =	shalt  }
0x43: {  	_ =	shalt  }
0x44: {  	_ =	shalt  }
0x45: {  	_ =	shalt  }
0x46: {  	_ =	shalt  }
0x47: {  	_ =	shalt  }
0x48: {  	_ =	shalt  }
0x49: {  	_ =	shalt  }
0x4a: {  	_ =	shalt  }
0x4b: {  	_ =	shalt  }
0x4c: {  	_ =	shalt  }
0x4d: {  	_ =	shalt  }
0x4e: {  	_ =	shalt  }
0x4f: {  	_ =	shalt  }
0x50: {  	_ =	shalt  }
0x51: {  	_ =	shalt  }
0x52: {  	_ =	shalt  }
0x53: {  	_ =	shalt  }
0x54: {  	_ =	shalt  }
0x55: {  	_ =	shalt  }
0x56: {  	_ =	shalt  }
0x57: {  	_ =	shalt  }
0x58: {  	_ =	shalt  }
0x59: {  	_ =	shalt  }
0x5a: {  	_ =	shalt  }
0x5b: {  	_ =	shalt  }
0x5c: {  	_ =	shalt  }
0x5d: {  	_ =	shalt  }
0x5e: {  	_ =	shalt  }
0x5f: {  	_ =	shalt  }
0x60: {  	_ =	shalt  }
0x61: {  	_ =	shalt  }
0x62: {  	_ =	shalt  }
0x63: {  	_ =	shalt  }
0x64: {  	_ =	shalt  }
0x65: {  	_ =	shalt  }
0x66: {  	_ =	shalt  }
0x67: {  	_ =	shalt  }
0x68: {  	_ =	shalt  }
0x69: {  	_ =	shalt  }
0x6a: {  	_ =	shalt  }
0x6b: {  	_ =	shalt  }
0x6c: {  	_ =	shalt  }
0x6d: {  	_ =	shalt  }
0x6e: {  	_ =	shalt  }
0x6f: {  	_ =	shalt  }
0x70: {  	_ =	shalt  }
0x71: {  	_ =	shalt  }
0x72: {  	_ =	shalt  }
0x73: {  	_ =	shalt  }
0x74: {  	_ =	shalt  }
0x75: {  	_ =	shalt  }
0x76: {  	_ =	shalt  }
0x77: {  	_ =	shalt  }
0x78: {  	_ =	shalt  }
0x79: {  	_ =	shalt  }
0x7a: {  	_ =	shalt  }
0x7b: {  	_ =	shalt  }
0x7c: {  	_ =	shalt  }
0x7d: {  	_ =	shalt  }
0x7e: {  	_ =	shalt  }
0x7f: {  	_ =	shalt  }
0x80: {  	_ =	shalt  }
0x81: {  	_ =	shalt  }
0x82: {  	_ =	shalt  }
0x83: {  	_ =	shalt  }
0x84: {  	_ =	shalt  }
0x85: {  	_ =	shalt  }
0x86: {  	_ =	shalt  }
0x87: {  	_ =	shalt  }
.Lfunc_end0:
.L_simem_size_0:
called_computation_lowered:
.L_overlay_start_0:
0x88: {  	s2 =	sld [smem:$0x3FD9]  }
0x89: {  	s3 =	sld [smem:$0x3FFE];
	_ =	sdelay $0x1  }
0x8a: {  	s1 =	srdreg.scid  }
0x8b: {  	s0 =	sand.u32 $0x1, s1  }
0x8c: {  	s17 =	sshll.u32 s0, $0xA;
	s2 =	sadd.s32 s3, s2  }
0x8d: {  	s2 =	sadd.s32 s2, s17  }
0x8e: {  	[smem:$0x3FC6] =	sst s2  }
0x8f: {  	_ = 	snop  }
0x90: {  	s2 =	sld [smem:$0x3FD0];
	(tm) =	ssettm $0x1  }
0x91: {  	s18 =	sld [smem:$0x3FFB];
	_ =	sdelay $0x3  }
0x92: {  	_ =	strace s18  }
0x93: {  	s3 =	sld [smem:$0x3FFC];
	_ =	sdelay $0x3  }
0x94: {  	_ =	strace s3  }
0x95: {  	s3 =	sld [smem:$0x3FFD];
	_ =	sdelay $0x3  }
0x96: {  	_ =	strace s3  }
0x97: {  	_ =	strace $0x8FFFFFFF  }
0x98: {  	s19 =	sld [smem:$0x3FDB];
	_ =	sdelay $0x1  }
0x99: {  	s4 =	simm.s32 $_scs_section_size  }
0x9a: {  	s5 =	simm.s32 $_size__tile_overlayer_lowered;
	s6 =	simm.s32 $_tile_overlayer_lowered  }
0x9b: {  	s22 =	simm.s32 $0x1BFF;
	s21 =	sshll.u32 s6, $0x1;
	s3 =	sadd.s32 s4, s19  }
0x9c: {  	s7 =	simm.s32 $0x0;
	s20 =	sshll.u32 s5, $0x1;
	s5 =	sadd.s32 s21, s3  }
0x9d: {  	[timem:s7], [sflag:s22] =	dma.local [hbm:s5], s20  }
0x9e: {  	_ =	swait.ge [sflag:s22], s20  }
0x9f: {  	s4 =	ssub.s32 $0x0, s20;
	[sflag:s22] =	ssyncset.done $0x0  }
0xa0: {  	[sflag:s22] =	ssyncadd.s32 s4;
	_ =	sdelay $0x1  }
0xa1: {  	s23 =	simm.s32 $0x1B8B  }
0xa2: {  	_ =	swait.ge [sflag:s23], $0x1  }
0xa3: {  	[sflag:s23] =	ssyncset.done $0x0  }
0xa4: {  	s25 =	simm.s32 $0x1B8E;
	s24 =	sld [smem:$0x3FFE];
	[sflag:s23] =	ssyncadd.s32 $0xFFFFFFFF  }
0xa5: {  	s26 =	simm.s32 $execute0_lowered;
	[smem:$0x3FD2] =	sst s25  }
0xa6: {  	s5 =	sshll.u32 s26, $0x1;
	_ =	strace $0x80000046;
	[dreg:$0x1] =	wrdreg $0xFFFFFFFF  }
0xa7: {  	s28 =	simm.s32 $_size_execute0_lowered;
	s3 =	sadd.s32 s3, s5;
	[dreg:$0x0] =	wrdreg $0x0  }
0xa8: {  	s5 =	sshll.u32 s28, $0x1;
	[dreg:$0x2] =	wrdreg s3  }
0xa9: {  	[dreg:$0x3] =	wrdreg s5  }
0xaa: {  	[dreg:$0x4] =	wrdreg $0xC0  }
0xab: {  	_ =	task [dreg:s7], $0x5FFFF  }
0xac: {  	[dreg:$0x1] =	wrdreg $0xFFFFFFFF  }
0xad: {  	[dreg:$0x0] =	wrdreg $0x60  }
0xae: {  	[dreg:$0x2] =	wrdreg s24  }
0xaf: {  	[dreg:$0x3] =	wrdreg s2  }
0xb0: {  	[dreg:$0x4] =	wrdreg $0x9  }
0xb1: {  	_ =	task.clear_ibuf [dreg:s7], $0x5FFFF;
	_ =	strace $0x90000046  }
0xb2: {  	s29 =	simm.s32 $0x9;
	_ =	strace $0x80000048  }
0xb3: {  	_ =	swait.ge [sflag:s29], $0x1  }
0xb4: {  	[sflag:s29] =	ssyncadd.s32 $0xFFFFFFFF  }
0xb5: {  	_ =	strace $0x90000048  }
0xb6: {  	_ =	sfence  }
0xb7: {  	s30 =	sld [smem:$0x0];
	_ =	sdelay $0x2  }
0xb8: {  	s31 =	sshll.u32 s1, $0xD;
	s1 =	sshrl.u32 s1, $0x2  }
0xb9: {  	s3 =	sand.u32 $0x4000, s31;
	s1 =	sadd.s32 s1, s30  }
0xba: {  	s0 =	sor.u32 s3, s0;
	s1 =	sshll.u32 s1, $0x11  }
0xbb: {  	s0 =	sor.u32 s1, s0  }
0xbc: {  	s0 =	sadd.s32 $0x8F2B, s0  }
0xbd: {  	[sflag:s0] =	ssyncadd.remote.s32 $0x1  }
0xbe: {  	_ =	sfence.sel $0xFFFF  }
0xbf: {  	[dreg:$0x0] =	wrdreg $0xFFFFFFFF;
	(pc) =	sbr.abs _section_cstart, $3  }
0xc0: {  	[dreg:$0x1] =	wrdreg $0xFFFFFFFF  }
0xc1: {  	_ =	task.clear_ibuf [dreg:s7], $0x2FFFF;
	_ =	strace $0x9FFFFFFF  }
0xc2: {  	(tm) =	ssettm $0x7FFFFFFF  }
0xc3: {  	_ =	shalt  }
tec
execute0_lowered:
.L_overlay_start_1:
0x0: {  	(tag) =	ssettag $0x1  }
0x1: {  	s0 =	rddreg [dreg:$0x0];
	s1 =	srdreg.scid  }
0x2: {  	s3 =	stileid.u32;
	s2 =	rddreg [dreg:$0x1]  }
0x3: {  	s4 =	simm.s32 $0x0;
	s9 =	simm.s32 $0x40;
	s10 =	simm.s32 $0x1C00  }
0x4: {  	v9 =	vlaneseq.u32;
	s11 =	simm.s32 $0x1C80;
	s12 =	simm.s32 $0x1C40;
	s13 =	simm.s32 $0x6880  }
0x5: {  	s14 =	simm.s32 $0x1;
	s15 =	simm.s32 $0xB480;
	s16 =	simm.s32 $0x80;
	v0 =	vmul.u32 $0x38, v9  }
0x6: {  	s17 =	simm.s32 $0x1E080;
	s18 =	simm.s32 $0x1E100;
	s19 =	simm.s32 $0xF480;
	vm0 =	vcmask $0x3F10  }
0x7: {  	s20 =	simm.s32 $0x2C;
	s21 =	simm.s32 $0x1E180;
	s22 =	simm.s32 $0x13480;
	v4 =	vmul.u32 $0x80, v9;
	v9 =	vmul.u32 $0x640, v9;
	v1 =	vadd.s32 $0x380, v0  }
0x8: {  	s23 =	simm.s32 $0x14A80;
	s24 =	simm.s32 $0x1E1B0;
	s28 =	simm.s32 $0x1E2B0;
	v2 =	vadd.s32 $0x700, v0;
	v3 =	vadd.s32 $0xA80, v0;
	v5 =	vadd.s32 $0xE00, v0  }
0x9: {  	s29 =	simm.s32 $0x1CA80;
	s1 =	sand.u32 $0x1, s1;
	s3 =	sshll.u32 s3, $0x1;
	v6 =	vadd.s32 $0x1180, v0;
	v7 =	vadd.s32 $0x1500, v0;
	v8 =	vadd.s32 $0x1880, v0  }
0xa: {  	s30 =	simm.s32 $0x2;
	s3 =	sor.u32 s1, s3;
	s1 =	ssub.s32 $0x2, s1;
	v10 =	vor.u32 $0x800, v4;
	v11 =	vor.u32 $0x1000, v4;
	v12 =	vor.u32 $0x1800, v4  }
0xb: {  	[smem:$0x7FF] =	sst s4;
	s5 =	smul.u32 $0x380, s3;
	s6 =	sshrl.u32 s1, $0x1;
	v13 =	vor.u32 $0x2000, v4;
	v14 =	vor.u32 $0x2800, v4;
	v15 =	vor.u32 $0x3000, v4  }
0xc: {  	s31 =	simm.s32 $0x3;
	_ =	strace $0x80000047;
	v16 =	vor.u32 $0x3800, v4;
	v17 =	vor.u32 $0x4000, v4;
	v18 =	vor.u32 $0x4800, v4;
	s1 =	ssub.s32 s1, s6  }
0xd: {  	v19 =	vor.u32 $0x5000, v4;
	v20 =	vor.u32 $0x5800, v4;
	v21 =	vor.u32 $0x6000, v4;
	s7 =	sadd.s32 s5, s0;
	s5 =	sadd.s32 $0x49B400, s0;
	s26 =	smax.u32 s1, $0x1  }
0xe: {  	v22 =	vor.u32 $0x6800, v4;
	v23 =	vor.u32 $0x7000, v4;
	v24 =	vor.u32 $0x7800, v4;
	s1 =	simm.s32 $0x0;
	s25 =	sadd.s32 $0x400, s7;
	[dreg:$0x4] =	wrdreg s26  }
0xf: {  	v25 =	vor.u32 $0x8000, v4;
	v26 =	vor.u32 $0x8800, v4;
	v27 =	vadd.s32 $0x8E00, v4;
	s26 =	simm.s32 $0x18A80;
	[dreg:$0x3] =	wrdreg s25;
	s25 =	simm.s32 $0x1E230  }
.LBB2_1:
0x10: {  	s0 =	rddreg [dreg:$0x3];
	s8 =	simm.s32 $0x4  }
0x11: {  	[tilespmem:s4], [sflag:$0x4] =	stream.linear.gather [hbm4b:s0+s4], $0x1C00, $0x38;
	[tilespmem:$0x1E2E0] =	vst v63  }
0x12: {  	_ =	swait.ge [sflag:s8], $0x1C00  }
0x13: {  	[sflag:s8] =	ssyncset.done $0x0  }
0x14: {  	s0 =	simm.s32 $0x0;
	[sflag:s8] =	ssyncadd.s32 $0xFFFFE400  }
.LBB2_2:
0x15: {  	s6 =	sshll.u32 s0, $0x1  }
0x16: {  	v28 =	vmov s6  }
0x17: {  	v28 =	vand.u32 $0x3E, v28  }
0x18: {  	v29 =	vadd.s32 v0, v28;
	_ =	sdelay $0x4  }
0x19: {  	v29 =	vld.idx.msk [tilespmem:v29+s4+$0x0], $0xffff  }
0x1a: {  	v30 =	vadd.s32 v1, v28;
	_ =	sdelay $0x3  }
0x1b: {  	[tilespmem:$0x1C00] =	vst v29  }
0x1c: {  	v29 =	vld.idx.msk [tilespmem:v30+s4+$0x0], $0xffff  }
0x1d: {  	v30 =	vadd.s32 v2, v28;
	_ =	sdelay $0x3  }
0x1e: {  	[tilespmem:$0x1C10] =	vst v29  }
0x1f: {  	v29 =	vld.idx.msk [tilespmem:v30+s4+$0x0], $0xffff  }
0x20: {  	v30 =	vadd.s32 v3, v28;
	_ =	sdelay $0x3  }
0x21: {  	[tilespmem:$0x1C20] =	vst v29  }
0x22: {  	v29 =	vld.idx.msk [tilespmem:v30+s4+$0x0], $0xffff  }
0x23: {  	v30 =	vadd.s32 v5, v28;
	_ =	sdelay $0x3  }
0x24: {  	[tilespmem:$0x1C30] =	vst v29  }
0x25: {  	v29 =	vld.idx.msk [tilespmem:v30+s4+$0x0], $0xffff  }
0x26: {  	v30 =	vadd.s32 v6, v28;
	_ =	sdelay $0x3  }
0x27: {  	[tilespmem:$0x1C40] =	vst v29  }
0x28: {  	v29 =	vld.idx.msk [tilespmem:v30+s4+$0x0], $0xffff  }
0x29: {  	v30 =	vadd.s32 v7, v28;
	_ =	sdelay $0x3  }
0x2a: {  	[tilespmem:$0x1C50] =	vst v29  }
0x2b: {  	v29 =	vld.idx.msk [tilespmem:v30+s4+$0x0], $0xffff  }
0x2c: {  	v28 =	vadd.s32 v8, v28;
	_ =	sdelay $0x3  }
0x2d: {  	[tilespmem:$0x1C60] =	vst v29  }
0x2e: {  	v28 =	vld.idx.msk [tilespmem:v28+s4+$0x0], $0xffff;
	_ =	sdelay $0x4  }
0x2f: {  	p0 =	seq.s32 s0, $0x0;
	[tilespmem:$0x1C70] =	vst v28  }
0x30: {  	[tilespmem:s11], [sflag:$0x1] =	stream.indirect.gather [hbm4b:s5+s9], $0x130, s10, s9, $0xb8;
	[tilespmem:$0x1E2E0] =	vst v63  }
0x31: {  	s7 =	simm.s32 @!p0 $0x2  }
0x32: {  	[tilespmem:s13], [sflag:$0x1] =	stream.indirect.gather [hbm4b:s5+s9], $0x130, s12, s9, $0xb8;
	[tilespmem:$0x1E2E0] =	vst v63  }
0x33: {  	_ =	swait.ge @!p0 [sflag:s7], $0x4000  }
0x34: {  	[sflag:s7] =	ssyncset.done @!p0 $0x0  }
0x35: {  	[sflag:s7] =	ssyncadd.s32 @!p0 $0xFFFFC000  }
0x36: {  	_ =	swait.ge @!p0 [sflag:s7], $0x4000  }
0x37: {  	[sflag:s7] =	ssyncset.done @!p0 $0x0  }
0x38: {  	[sflag:s7] =	ssyncadd.s32 @!p0 $0xFFFFC000  }
0x39: {  	s8 =	sshll.u32 s0, $0x6;
	_ =	swait.ge @!p0 [sflag:s7], $0x1600  }
0x3a: {  	s8 =	sor.u32 s3, s8;
	[sflag:s7] =	ssyncset.done @!p0 $0x0  }
0x3b: {  	v28 =	vadd.s32 s8, v9;
	[sflag:s7] =	ssyncadd.s32 @!p0 $0xFFFFEA00;
	s7 =	sadd.s32 $0x6400, s8  }
0x3c: {  	[tilespmem:$0x1E080] =	vst v28;
	v28 =	vadd.s32 s7, v9;
	s7 =	sor.u32 $0xC800, s8  }
0x3d: {  	[tilespmem:$0x1E090] =	vst v28;
	v28 =	vadd.s32 s7, v9;
	s7 =	sadd.s32 $0x12C00, s8  }
0x3e: {  	[tilespmem:$0x1E0A0] =	vst v28;
	v28 =	vadd.s32 s7, v9;
	s7 =	sor.u32 $0x19000, s8  }
0x3f: {  	[tilespmem:$0x1E0B0] =	vst v28;
	v28 =	vadd.s32 s7, v9;
	s7 =	sadd.s32 $0x1F400, s8  }
0x40: {  	[tilespmem:$0x1E0C0] =	vst v28;
	v28 =	vadd.s32 s7, v9;
	s7 =	sor.u32 $0x25800, s8  }
0x41: {  	[tilespmem:$0x1E0D0] =	vst v28;
	v28 =	vadd.s32 s7, v9;
	s7 =	sadd.s32 $0x2BC00, s8  }
0x42: {  	[tilespmem:$0x1E0E0] =	vst v28;
	v28 =	vadd.s32 s7, v9;
	s7 =	sor.u32 $0x32000, s8  }
0x43: {  	[tilespmem:$0x1E0F0] =	vst v28;
	v28 =	vadd.s32 s7, v9;
	s7 =	sadd.s32 $0x38400, s8  }
0x44: {  	[tilespmem:$0x1E100] =	vst v28;
	v28 =	vadd.s32 s7, v9;
	s7 =	sor.u32 $0x3E800, s8  }
0x45: {  	[tilespmem:$0x1E110] =	vst v28;
	v28 =	vadd.s32 s7, v9;
	s7 =	sadd.s32 $0x44C00, s8  }
0x46: {  	[tilespmem:$0x1E120] =	vst v28;
	v28 =	vadd.s32 s7, v9;
	s7 =	sor.u32 $0x4B000, s8  }
0x47: {  	[tilespmem:$0x1E130] =	vst v28;
	v28 =	vadd.s32 s7, v9;
	s7 =	sadd.s32 $0x51400, s8  }
0x48: {  	[tilespmem:$0x1E140] =	vst v28;
	v28 =	vadd.s32 s7, v9;
	s7 =	sor.u32 $0x57800, s8  }
0x49: {  	[tilespmem:$0x1E150] =	vst v28;
	v28 =	vadd.s32 s7, v9;
	s7 =	sadd.s32 $0x5DC00, s8  }
0x4a: {  	[tilespmem:$0x1E160] =	vst v28;
	v28 =	vadd.s32 s7, v9;
	s7 =	sor.u32 $0x64000, s8  }
0x4b: {  	[tilespmem:$0x1E170] =	vst v28;
	v28 =	vadd.s32 s7, v9;
	s7 =	sadd.s32 $0x6A400, s8  }
0x4c: {  	s8 =	sadd.s32 $0x6EF00, s8;
	[tilespmem:$0x1E180] =	vst v28;
	v28 =	vadd.s32 s7, v9  }
0x4d: {  	[tilespmem:$0x1E190] =	vst v28;
	v28 =	vadd.s32 s8, v9;
	s8 =	simm.s32 $0x0  }
0x4e: {  	[tilespmem:$0x1E19C] =	vst v28;
	v28 =	vmov s8  }
0x4f: {  	_ =	swait.ge [sflag:s14], $0x4C00;
	v28 =	vand.u32 $0x3F, v28  }
0x50: {  	[sflag:s14] =	ssyncset.done $0x0;
	v28 =	vbroadcast v28, $0x0  }
0x51: {  	s7 =	simm.s32 $0x1D10;
	[sflag:s14] =	ssyncadd.s32 $0xFFFFB400  }
0x52: {  	v29 =	vld [tilespmem:s7+$0xFFFFFF70];
	v30 =	vor.u32 v4, v28;
	_ =	sdelay $0x4  }
0x53: {  	[tilespmem:v30+s15+$0x0] =	vst.idx.msk $0xffff, v29  }
0x54: {  	v30 =	vor.u32 v10, v28;
	v29 =	vld [tilespmem:s7+$0xFFFFFF80];
	_ =	sdelay $0x4  }
0x55: {  	[tilespmem:v30+s15+$0x0] =	vst.idx.msk $0xffff, v29  }
0x56: {  	v30 =	vor.u32 v11, v28;
	v29 =	vld [tilespmem:s7+$0xFFFFFF90];
	_ =	sdelay $0x4  }
0x57: {  	[tilespmem:v30+s15+$0x0] =	vst.idx.msk $0xffff, v29  }
0x58: {  	v30 =	vor.u32 v12, v28;
	v29 =	vld [tilespmem:s7+$0xFFFFFFA0];
	_ =	sdelay $0x4  }
0x59: {  	[tilespmem:v30+s15+$0x0] =	vst.idx.msk $0xffff, v29  }
0x5a: {  	v30 =	vor.u32 v13, v28;
	v29 =	vld [tilespmem:s7+$0xFFFFFFB0];
	_ =	sdelay $0x4  }
0x5b: {  	[tilespmem:v30+s15+$0x0] =	vst.idx.msk $0xffff, v29  }
0x5c: {  	v30 =	vor.u32 v14, v28;
	v29 =	vld [tilespmem:s7+$0xFFFFFFC0];
	_ =	sdelay $0x4  }
0x5d: {  	[tilespmem:v30+s15+$0x0] =	vst.idx.msk $0xffff, v29  }
0x5e: {  	v30 =	vor.u32 v15, v28;
	v29 =	vld [tilespmem:s7+$0xFFFFFFD0];
	_ =	sdelay $0x4  }
0x5f: {  	[tilespmem:v30+s15+$0x0] =	vst.idx.msk $0xffff, v29  }
0x60: {  	v30 =	vor.u32 v16, v28;
	v29 =	vld [tilespmem:s7+$0xFFFFFFE0];
	_ =	sdelay $0x4  }
0x61: {  	[tilespmem:v30+s15+$0x0] =	vst.idx.msk $0xffff, v29  }
0x62: {  	v30 =	vor.u32 v17, v28;
	v29 =	vld [tilespmem:s7+$0xFFFFFFF0];
	_ =	sdelay $0x4  }
0x63: {  	[tilespmem:v30+s15+$0x0] =	vst.idx.msk $0xffff, v29  }
0x64: {  	v30 =	vor.u32 v18, v28;
	v29 =	vld [tilespmem:s7+$0x0];
	_ =	sdelay $0x4  }
0x65: {  	[tilespmem:v30+s15+$0x0] =	vst.idx.msk $0xffff, v29  }
0x66: {  	v30 =	vor.u32 v19, v28;
	v29 =	vld [tilespmem:s7+$0x10];
	_ =	sdelay $0x4  }
0x67: {  	[tilespmem:v30+s15+$0x0] =	vst.idx.msk $0xffff, v29  }
0x68: {  	v30 =	vor.u32 v20, v28;
	v29 =	vld [tilespmem:s7+$0x20];
	_ =	sdelay $0x4  }
0x69: {  	[tilespmem:v30+s15+$0x0] =	vst.idx.msk $0xffff, v29  }
0x6a: {  	v30 =	vor.u32 v21, v28;
	v29 =	vld [tilespmem:s7+$0x30];
	_ =	sdelay $0x4  }
0x6b: {  	[tilespmem:v30+s15+$0x0] =	vst.idx.msk $0xffff, v29  }
0x6c: {  	v30 =	vor.u32 v22, v28;
	v29 =	vld [tilespmem:s7+$0x40];
	_ =	sdelay $0x4  }
0x6d: {  	[tilespmem:v30+s15+$0x0] =	vst.idx.msk $0xffff, v29  }
0x6e: {  	v30 =	vor.u32 v23, v28;
	v29 =	vld [tilespmem:s7+$0x50];
	_ =	sdelay $0x4  }
0x6f: {  	[tilespmem:v30+s15+$0x0] =	vst.idx.msk $0xffff, v29  }
0x70: {  	v30 =	vor.u32 v24, v28;
	v29 =	vld [tilespmem:s7+$0x60];
	_ =	sdelay $0x4  }
0x71: {  	[tilespmem:v30+s15+$0x0] =	vst.idx.msk $0xffff, v29  }
0x72: {  	v30 =	vor.u32 v25, v28;
	v29 =	vld [tilespmem:s7+$0x70];
	_ =	sdelay $0x4  }
0x73: {  	[tilespmem:v30+s15+$0x0] =	vst.idx.msk $0xffff, v29  }
0x74: {  	v30 =	vor.u32 v26, v28;
	v29 =	vld [tilespmem:s7+$0x80];
	_ =	sdelay $0x4  }
0x75: {  	[tilespmem:v30+s15+$0x0] =	vst.idx.msk $0xffff, v29  }
0x76: {  	v30 =	vor.u32 v27, v28;
	v29 =	vld [tilespmem:s7+$0x8C]  }
0x77: {  	s8 =	simm.s32 $0x1  }
0x78: {  	v28 =	vmov s8;
	s8 =	simm.s32 $0x2  }
.LBB2_3:
0x79: {  	p1 =	sne.s32 s8, $0x3F;
	v28 =	vand.u32 $0x3F, v28  }
0x7a: {  	v28 =	vbroadcast v28, $0x0  }
0x7b: {  	s7 =	sadd.s32 $0x130, s7;
	[tilespmem:v30+s15+$0x0] =	vst.idx.msk vm0, v29  }
0x7c: {  	v29 =	vld [tilespmem:s7+$0xFFFFFF70];
	v30 =	vor.u32 v4, v28;
	_ =	sdelay $0x4  }
0x7d: {  	[tilespmem:v30+s15+$0x0] =	vst.idx.msk $0xffff, v29  }
0x7e: {  	v30 =	vor.u32 v10, v28;
	v29 =	vld [tilespmem:s7+$0xFFFFFF80];
	_ =	sdelay $0x4  }
0x7f: {  	[tilespmem:v30+s15+$0x0] =	vst.idx.msk $0xffff, v29  }
0x80: {  	v30 =	vor.u32 v11, v28;
	v29 =	vld [tilespmem:s7+$0xFFFFFF90];
	_ =	sdelay $0x4  }
0x81: {  	[tilespmem:v30+s15+$0x0] =	vst.idx.msk $0xffff, v29  }
0x82: {  	v30 =	vor.u32 v12, v28;
	v29 =	vld [tilespmem:s7+$0xFFFFFFA0];
	_ =	sdelay $0x4  }
0x83: {  	[tilespmem:v30+s15+$0x0] =	vst.idx.msk $0xffff, v29  }
0x84: {  	v30 =	vor.u32 v13, v28;
	v29 =	vld [tilespmem:s7+$0xFFFFFFB0];
	_ =	sdelay $0x4  }
0x85: {  	[tilespmem:v30+s15+$0x0] =	vst.idx.msk $0xffff, v29  }
0x86: {  	v30 =	vor.u32 v14, v28;
	v29 =	vld [tilespmem:s7+$0xFFFFFFC0];
	_ =	sdelay $0x4  }
0x87: {  	[tilespmem:v30+s15+$0x0] =	vst.idx.msk $0xffff, v29  }
0x88: {  	v30 =	vor.u32 v15, v28;
	v29 =	vld [tilespmem:s7+$0xFFFFFFD0];
	_ =	sdelay $0x4  }
0x89: {  	[tilespmem:v30+s15+$0x0] =	vst.idx.msk $0xffff, v29  }
0x8a: {  	v30 =	vor.u32 v16, v28;
	v29 =	vld [tilespmem:s7+$0xFFFFFFE0];
	_ =	sdelay $0x4  }
0x8b: {  	[tilespmem:v30+s15+$0x0] =	vst.idx.msk $0xffff, v29  }
0x8c: {  	v30 =	vor.u32 v17, v28;
	v29 =	vld [tilespmem:s7+$0xFFFFFFF0];
	_ =	sdelay $0x4  }
0x8d: {  	[tilespmem:v30+s15+$0x0] =	vst.idx.msk $0xffff, v29  }
0x8e: {  	v30 =	vor.u32 v18, v28;
	v29 =	vld [tilespmem:s7+$0x0];
	_ =	sdelay $0x4  }
0x8f: {  	[tilespmem:v30+s15+$0x0] =	vst.idx.msk $0xffff, v29  }
0x90: {  	v30 =	vor.u32 v19, v28;
	v29 =	vld [tilespmem:s7+$0x10];
	_ =	sdelay $0x4  }
0x91: {  	[tilespmem:v30+s15+$0x0] =	vst.idx.msk $0xffff, v29  }
0x92: {  	v30 =	vor.u32 v20, v28;
	v29 =	vld [tilespmem:s7+$0x20];
	_ =	sdelay $0x4  }
0x93: {  	[tilespmem:v30+s15+$0x0] =	vst.idx.msk $0xffff, v29  }
0x94: {  	v30 =	vor.u32 v21, v28;
	v29 =	vld [tilespmem:s7+$0x30];
	_ =	sdelay $0x4  }
0x95: {  	[tilespmem:v30+s15+$0x0] =	vst.idx.msk $0xffff, v29  }
0x96: {  	v30 =	vor.u32 v22, v28;
	v29 =	vld [tilespmem:s7+$0x40];
	_ =	sdelay $0x4  }
0x97: {  	[tilespmem:v30+s15+$0x0] =	vst.idx.msk $0xffff, v29  }
0x98: {  	v30 =	vor.u32 v23, v28;
	v29 =	vld [tilespmem:s7+$0x50];
	_ =	sdelay $0x4  }
0x99: {  	[tilespmem:v30+s15+$0x0] =	vst.idx.msk $0xffff, v29  }
0x9a: {  	v30 =	vor.u32 v24, v28;
	v29 =	vld [tilespmem:s7+$0x60];
	_ =	sdelay $0x4  }
0x9b: {  	[tilespmem:v30+s15+$0x0] =	vst.idx.msk $0xffff, v29  }
0x9c: {  	v30 =	vor.u32 v25, v28;
	v29 =	vld [tilespmem:s7+$0x70];
	_ =	sdelay $0x4  }
0x9d: {  	[tilespmem:v30+s15+$0x0] =	vst.idx.msk $0xffff, v29  }
0x9e: {  	v30 =	vor.u32 v26, v28;
	v29 =	vld [tilespmem:s7+$0x80];
	_ =	sdelay $0x3  }
.Ltmp0:
0x9f: {  	(pc) =	sbr.rel @p1 .LBB2_3-.Ltmp0, $3  }
0xa0: {  	[tilespmem:v30+s15+$0x0] =	vst.idx.msk $0xffff, v29  }
0xa1: {  	v30 =	vor.u32 v27, v28;
	v29 =	vld [tilespmem:s7+$0x8C];
	_ =	sdelay $0x1  }
0xa2: {  	v28 =	vmov s8;
	s8 =	sadd.s32 $0x1, s8  }
0xa3: {  	_ =	sdelay $0x2  }
0xa4: {  	v28 =	vand.u32 $0x3F, v28  }
0xa5: {  	v28 =	vbroadcast v28, $0x0  }
0xa6: {  	s7 =	sadd.s32 $0x130, s7;
	[tilespmem:v30+s15+$0x0] =	vst.idx.msk vm0, v29  }
0xa7: {  	v29 =	vld [tilespmem:s7+$0xFFFFFF70];
	v30 =	vor.u32 v4, v28;
	_ =	sdelay $0x4  }
0xa8: {  	[tilespmem:v30+s15+$0x0] =	vst.idx.msk $0xffff, v29  }
0xa9: {  	v30 =	vor.u32 v10, v28;
	v29 =	vld [tilespmem:s7+$0xFFFFFF80];
	_ =	sdelay $0x4  }
0xaa: {  	[tilespmem:v30+s15+$0x0] =	vst.idx.msk $0xffff, v29  }
0xab: {  	v30 =	vor.u32 v11, v28;
	v29 =	vld [tilespmem:s7+$0xFFFFFF90];
	_ =	sdelay $0x4  }
0xac: {  	[tilespmem:v30+s15+$0x0] =	vst.idx.msk $0xffff, v29  }
0xad: {  	v30 =	vor.u32 v12, v28;
	v29 =	vld [tilespmem:s7+$0xFFFFFFA0];
	_ =	sdelay $0x4  }
0xae: {  	[tilespmem:v30+s15+$0x0] =	vst.idx.msk $0xffff, v29  }
0xaf: {  	v30 =	vor.u32 v13, v28;
	v29 =	vld [tilespmem:s7+$0xFFFFFFB0];
	_ =	sdelay $0x4  }
0xb0: {  	[tilespmem:v30+s15+$0x0] =	vst.idx.msk $0xffff, v29  }
0xb1: {  	v30 =	vor.u32 v14, v28;
	v29 =	vld [tilespmem:s7+$0xFFFFFFC0];
	_ =	sdelay $0x4  }
0xb2: {  	[tilespmem:v30+s15+$0x0] =	vst.idx.msk $0xffff, v29  }
0xb3: {  	v30 =	vor.u32 v15, v28;
	v29 =	vld [tilespmem:s7+$0xFFFFFFD0];
	_ =	sdelay $0x4  }
0xb4: {  	[tilespmem:v30+s15+$0x0] =	vst.idx.msk $0xffff, v29  }
0xb5: {  	v30 =	vor.u32 v16, v28;
	v29 =	vld [tilespmem:s7+$0xFFFFFFE0];
	_ =	sdelay $0x4  }
0xb6: {  	[tilespmem:v30+s15+$0x0] =	vst.idx.msk $0xffff, v29  }
0xb7: {  	v30 =	vor.u32 v17, v28;
	v29 =	vld [tilespmem:s7+$0xFFFFFFF0];
	_ =	sdelay $0x4  }
0xb8: {  	[tilespmem:v30+s15+$0x0] =	vst.idx.msk $0xffff, v29  }
0xb9: {  	v30 =	vor.u32 v18, v28;
	v29 =	vld [tilespmem:s7+$0x0];
	_ =	sdelay $0x4  }
0xba: {  	[tilespmem:v30+s15+$0x0] =	vst.idx.msk $0xffff, v29  }
0xbb: {  	v30 =	vor.u32 v19, v28;
	v29 =	vld [tilespmem:s7+$0x10];
	_ =	sdelay $0x4  }
0xbc: {  	[tilespmem:v30+s15+$0x0] =	vst.idx.msk $0xffff, v29  }
0xbd: {  	v30 =	vor.u32 v20, v28;
	v29 =	vld [tilespmem:s7+$0x20];
	_ =	sdelay $0x4  }
0xbe: {  	[tilespmem:v30+s15+$0x0] =	vst.idx.msk $0xffff, v29  }
0xbf: {  	v30 =	vor.u32 v21, v28;
	v29 =	vld [tilespmem:s7+$0x30];
	_ =	sdelay $0x4  }
0xc0: {  	[tilespmem:v30+s15+$0x0] =	vst.idx.msk $0xffff, v29  }
0xc1: {  	v30 =	vor.u32 v22, v28;
	v29 =	vld [tilespmem:s7+$0x40];
	_ =	sdelay $0x4  }
0xc2: {  	[tilespmem:v30+s15+$0x0] =	vst.idx.msk $0xffff, v29  }
0xc3: {  	v30 =	vor.u32 v23, v28;
	v29 =	vld [tilespmem:s7+$0x50];
	_ =	sdelay $0x4  }
0xc4: {  	[tilespmem:v30+s15+$0x0] =	vst.idx.msk $0xffff, v29  }
0xc5: {  	v30 =	vor.u32 v24, v28;
	v29 =	vld [tilespmem:s7+$0x60];
	_ =	sdelay $0x4  }
0xc6: {  	[tilespmem:v30+s15+$0x0] =	vst.idx.msk $0xffff, v29  }
0xc7: {  	v30 =	vor.u32 v25, v28;
	v29 =	vld [tilespmem:s7+$0x70];
	_ =	sdelay $0x4  }
0xc8: {  	[tilespmem:v30+s15+$0x0] =	vst.idx.msk $0xffff, v29  }
0xc9: {  	v30 =	vor.u32 v26, v28;
	v29 =	vld [tilespmem:s7+$0x80];
	_ =	sdelay $0x4  }
0xca: {  	[tilespmem:v30+s15+$0x0] =	vst.idx.msk $0xffff, v29  }
0xcb: {  	v28 =	vor.u32 v27, v28;
	v29 =	vld [tilespmem:s7+$0x8C];
	_ =	sdelay $0x3  }
0xcc: {  	s8 =	simm.s32 $0x40  }
0xcd: {  	[tilespmem:v28+s15+$0x0] =	vst.idx.msk vm0, v29;
	v28 =	vmov s8  }
0xce: {  	_ =	swait.ge [sflag:s14], $0x4C00;
	v28 =	vand.u32 $0x7F, v28  }
0xcf: {  	[sflag:s14] =	ssyncset.done $0x0;
	v28 =	vbroadcast v28, $0x0  }
0xd0: {  	s7 =	simm.s32 $0x6910;
	[sflag:s14] =	ssyncadd.s32 $0xFFFFB400  }
0xd1: {  	v29 =	vld [tilespmem:s7+$0xFFFFFF70];
	v30 =	vor.u32 v4, v28;
	_ =	sdelay $0x4  }
0xd2: {  	[tilespmem:v30+s15+$0x0] =	vst.idx.msk $0xffff, v29  }
0xd3: {  	v30 =	vor.u32 v10, v28;
	v29 =	vld [tilespmem:s7+$0xFFFFFF80];
	_ =	sdelay $0x4  }
0xd4: {  	[tilespmem:v30+s15+$0x0] =	vst.idx.msk $0xffff, v29  }
0xd5: {  	v30 =	vor.u32 v11, v28;
	v29 =	vld [tilespmem:s7+$0xFFFFFF90];
	_ =	sdelay $0x4  }
0xd6: {  	[tilespmem:v30+s15+$0x0] =	vst.idx.msk $0xffff, v29  }
0xd7: {  	v30 =	vor.u32 v12, v28;
	v29 =	vld [tilespmem:s7+$0xFFFFFFA0];
	_ =	sdelay $0x4  }
0xd8: {  	[tilespmem:v30+s15+$0x0] =	vst.idx.msk $0xffff, v29  }
0xd9: {  	v30 =	vor.u32 v13, v28;
	v29 =	vld [tilespmem:s7+$0xFFFFFFB0];
	_ =	sdelay $0x4  }
0xda: {  	[tilespmem:v30+s15+$0x0] =	vst.idx.msk $0xffff, v29  }
0xdb: {  	v30 =	vor.u32 v14, v28;
	v29 =	vld [tilespmem:s7+$0xFFFFFFC0];
	_ =	sdelay $0x4  }
0xdc: {  	[tilespmem:v30+s15+$0x0] =	vst.idx.msk $0xffff, v29  }
0xdd: {  	v30 =	vor.u32 v15, v28;
	v29 =	vld [tilespmem:s7+$0xFFFFFFD0];
	_ =	sdelay $0x4  }
0xde: {  	[tilespmem:v30+s15+$0x0] =	vst.idx.msk $0xffff, v29  }
0xdf: {  	v30 =	vor.u32 v16, v28;
	v29 =	vld [tilespmem:s7+$0xFFFFFFE0];
	_ =	sdelay $0x4  }
0xe0: {  	[tilespmem:v30+s15+$0x0] =	vst.idx.msk $0xffff, v29  }
0xe1: {  	v30 =	vor.u32 v17, v28;
	v29 =	vld [tilespmem:s7+$0xFFFFFFF0];
	_ =	sdelay $0x4  }
0xe2: {  	[tilespmem:v30+s15+$0x0] =	vst.idx.msk $0xffff, v29  }
0xe3: {  	v30 =	vor.u32 v18, v28;
	v29 =	vld [tilespmem:s7+$0x0];
	_ =	sdelay $0x4  }
0xe4: {  	[tilespmem:v30+s15+$0x0] =	vst.idx.msk $0xffff, v29  }
0xe5: {  	v30 =	vor.u32 v19, v28;
	v29 =	vld [tilespmem:s7+$0x10];
	_ =	sdelay $0x4  }
0xe6: {  	[tilespmem:v30+s15+$0x0] =	vst.idx.msk $0xffff, v29  }
0xe7: {  	v30 =	vor.u32 v20, v28;
	v29 =	vld [tilespmem:s7+$0x20];
	_ =	sdelay $0x4  }
0xe8: {  	[tilespmem:v30+s15+$0x0] =	vst.idx.msk $0xffff, v29  }
0xe9: {  	v30 =	vor.u32 v21, v28;
	v29 =	vld [tilespmem:s7+$0x30];
	_ =	sdelay $0x4  }
0xea: {  	[tilespmem:v30+s15+$0x0] =	vst.idx.msk $0xffff, v29  }
0xeb: {  	v30 =	vor.u32 v22, v28;
	v29 =	vld [tilespmem:s7+$0x40];
	_ =	sdelay $0x4  }
0xec: {  	[tilespmem:v30+s15+$0x0] =	vst.idx.msk $0xffff, v29  }
0xed: {  	v30 =	vor.u32 v23, v28;
	v29 =	vld [tilespmem:s7+$0x50];
	_ =	sdelay $0x4  }
0xee: {  	[tilespmem:v30+s15+$0x0] =	vst.idx.msk $0xffff, v29  }
0xef: {  	v30 =	vor.u32 v24, v28;
	v29 =	vld [tilespmem:s7+$0x60];
	_ =	sdelay $0x4  }
0xf0: {  	[tilespmem:v30+s15+$0x0] =	vst.idx.msk $0xffff, v29  }
0xf1: {  	v30 =	vor.u32 v25, v28;
	v29 =	vld [tilespmem:s7+$0x70];
	_ =	sdelay $0x4  }
0xf2: {  	[tilespmem:v30+s15+$0x0] =	vst.idx.msk $0xffff, v29  }
0xf3: {  	v30 =	vor.u32 v26, v28;
	v29 =	vld [tilespmem:s7+$0x80];
	_ =	sdelay $0x4  }
0xf4: {  	[tilespmem:v30+s15+$0x0] =	vst.idx.msk $0xffff, v29  }
0xf5: {  	v30 =	vor.u32 v27, v28;
	v29 =	vld [tilespmem:s7+$0x8C]  }
0xf6: {  	s8 =	simm.s32 $0x41  }
0xf7: {  	v28 =	vmov s8;
	s8 =	simm.s32 $0x42  }
.LBB2_5:
0xf8: {  	p1 =	sne.s32 s8, $0x7F;
	v28 =	vand.u32 $0x7F, v28  }
0xf9: {  	v28 =	vbroadcast v28, $0x0  }
0xfa: {  	s7 =	sadd.s32 $0x130, s7;
	[tilespmem:v30+s15+$0x0] =	vst.idx.msk vm0, v29  }
0xfb: {  	v29 =	vld [tilespmem:s7+$0xFFFFFF70];
	v30 =	vor.u32 v4, v28;
	_ =	sdelay $0x4  }
0xfc: {  	[tilespmem:v30+s15+$0x0] =	vst.idx.msk $0xffff, v29  }
0xfd: {  	v30 =	vor.u32 v10, v28;
	v29 =	vld [tilespmem:s7+$0xFFFFFF80];
	_ =	sdelay $0x4  }
0xfe: {  	[tilespmem:v30+s15+$0x0] =	vst.idx.msk $0xffff, v29  }
0xff: {  	v30 =	vor.u32 v11, v28;
	v29 =	vld [tilespmem:s7+$0xFFFFFF90];
	_ =	sdelay $0x4  }
0x100: {  	[tilespmem:v30+s15+$0x0] =	vst.idx.msk $0xffff, v29  }
0x101: {  	v30 =	vor.u32 v12, v28;
	v29 =	vld [tilespmem:s7+$0xFFFFFFA0];
	_ =	sdelay $0x4  }
0x102: {  	[tilespmem:v30+s15+$0x0] =	vst.idx.msk $0xffff, v29  }
0x103: {  	v30 =	vor.u32 v13, v28;
	v29 =	vld [tilespmem:s7+$0xFFFFFFB0];
	_ =	sdelay $0x4  }
0x104: {  	[tilespmem:v30+s15+$0x0] =	vst.idx.msk $0xffff, v29  }
0x105: {  	v30 =	vor.u32 v14, v28;
	v29 =	vld [tilespmem:s7+$0xFFFFFFC0];
	_ =	sdelay $0x4  }
0x106: {  	[tilespmem:v30+s15+$0x0] =	vst.idx.msk $0xffff, v29  }
0x107: {  	v30 =	vor.u32 v15, v28;
	v29 =	vld [tilespmem:s7+$0xFFFFFFD0];
	_ =	sdelay $0x4  }
0x108: {  	[tilespmem:v30+s15+$0x0] =	vst.idx.msk $0xffff, v29  }
0x109: {  	v30 =	vor.u32 v16, v28;
	v29 =	vld [tilespmem:s7+$0xFFFFFFE0];
	_ =	sdelay $0x4  }
0x10a: {  	[tilespmem:v30+s15+$0x0] =	vst.idx.msk $0xffff, v29  }
0x10b: {  	v30 =	vor.u32 v17, v28;
	v29 =	vld [tilespmem:s7+$0xFFFFFFF0];
	_ =	sdelay $0x4  }
0x10c: {  	[tilespmem:v30+s15+$0x0] =	vst.idx.msk $0xffff, v29  }
0x10d: {  	v30 =	vor.u32 v18, v28;
	v29 =	vld [tilespmem:s7+$0x0];
	_ =	sdelay $0x4  }
0x10e: {  	[tilespmem:v30+s15+$0x0] =	vst.idx.msk $0xffff, v29  }
0x10f: {  	v30 =	vor.u32 v19, v28;
	v29 =	vld [tilespmem:s7+$0x10];
	_ =	sdelay $0x4  }
0x110: {  	[tilespmem:v30+s15+$0x0] =	vst.idx.msk $0xffff, v29  }
0x111: {  	v30 =	vor.u32 v20, v28;
	v29 =	vld [tilespmem:s7+$0x20];
	_ =	sdelay $0x4  }
0x112: {  	[tilespmem:v30+s15+$0x0] =	vst.idx.msk $0xffff, v29  }
0x113: {  	v30 =	vor.u32 v21, v28;
	v29 =	vld [tilespmem:s7+$0x30];
	_ =	sdelay $0x4  }
0x114: {  	[tilespmem:v30+s15+$0x0] =	vst.idx.msk $0xffff, v29  }
0x115: {  	v30 =	vor.u32 v22, v28;
	v29 =	vld [tilespmem:s7+$0x40];
	_ =	sdelay $0x4  }
0x116: {  	[tilespmem:v30+s15+$0x0] =	vst.idx.msk $0xffff, v29  }
0x117: {  	v30 =	vor.u32 v23, v28;
	v29 =	vld [tilespmem:s7+$0x50];
	_ =	sdelay $0x4  }
0x118: {  	[tilespmem:v30+s15+$0x0] =	vst.idx.msk $0xffff, v29  }
0x119: {  	v30 =	vor.u32 v24, v28;
	v29 =	vld [tilespmem:s7+$0x60];
	_ =	sdelay $0x4  }
0x11a: {  	[tilespmem:v30+s15+$0x0] =	vst.idx.msk $0xffff, v29  }
0x11b: {  	v30 =	vor.u32 v25, v28;
	v29 =	vld [tilespmem:s7+$0x70];
	_ =	sdelay $0x4  }
0x11c: {  	[tilespmem:v30+s15+$0x0] =	vst.idx.msk $0xffff, v29  }
0x11d: {  	v30 =	vor.u32 v26, v28;
	v29 =	vld [tilespmem:s7+$0x80];
	_ =	sdelay $0x3  }
.Ltmp1:
0x11e: {  	(pc) =	sbr.rel @p1 .LBB2_5-.Ltmp1, $3  }
0x11f: {  	[tilespmem:v30+s15+$0x0] =	vst.idx.msk $0xffff, v29  }
0x120: {  	v30 =	vor.u32 v27, v28;
	v29 =	vld [tilespmem:s7+$0x8C];
	_ =	sdelay $0x1  }
0x121: {  	v28 =	vmov s8;
	s8 =	sadd.s32 $0x1, s8  }
0x122: {  	_ =	sdelay $0x2  }
0x123: {  	v28 =	vand.u32 $0x7F, v28  }
0x124: {  	v28 =	vbroadcast v28, $0x0  }
0x125: {  	s7 =	sadd.s32 $0x130, s7;
	[tilespmem:v30+s15+$0x0] =	vst.idx.msk vm0, v29  }
0x126: {  	v29 =	vld [tilespmem:s7+$0xFFFFFF70];
	v30 =	vor.u32 v4, v28;
	_ =	sdelay $0x4  }
0x127: {  	[tilespmem:v30+s15+$0x0] =	vst.idx.msk $0xffff, v29  }
0x128: {  	v30 =	vor.u32 v10, v28;
	v29 =	vld [tilespmem:s7+$0xFFFFFF80];
	_ =	sdelay $0x4  }
0x129: {  	[tilespmem:v30+s15+$0x0] =	vst.idx.msk $0xffff, v29  }
0x12a: {  	v30 =	vor.u32 v11, v28;
	v29 =	vld [tilespmem:s7+$0xFFFFFF90];
	_ =	sdelay $0x4  }
0x12b: {  	[tilespmem:v30+s15+$0x0] =	vst.idx.msk $0xffff, v29  }
0x12c: {  	v30 =	vor.u32 v12, v28;
	v29 =	vld [tilespmem:s7+$0xFFFFFFA0];
	_ =	sdelay $0x4  }
0x12d: {  	[tilespmem:v30+s15+$0x0] =	vst.idx.msk $0xffff, v29  }
0x12e: {  	v30 =	vor.u32 v13, v28;
	v29 =	vld [tilespmem:s7+$0xFFFFFFB0];
	_ =	sdelay $0x4  }
0x12f: {  	[tilespmem:v30+s15+$0x0] =	vst.idx.msk $0xffff, v29  }
0x130: {  	v30 =	vor.u32 v14, v28;
	v29 =	vld [tilespmem:s7+$0xFFFFFFC0];
	_ =	sdelay $0x4  }
0x131: {  	[tilespmem:v30+s15+$0x0] =	vst.idx.msk $0xffff, v29  }
0x132: {  	v30 =	vor.u32 v15, v28;
	v29 =	vld [tilespmem:s7+$0xFFFFFFD0];
	_ =	sdelay $0x4  }
0x133: {  	[tilespmem:v30+s15+$0x0] =	vst.idx.msk $0xffff, v29  }
0x134: {  	v30 =	vor.u32 v16, v28;
	v29 =	vld [tilespmem:s7+$0xFFFFFFE0];
	_ =	sdelay $0x4  }
0x135: {  	[tilespmem:v30+s15+$0x0] =	vst.idx.msk $0xffff, v29  }
0x136: {  	v30 =	vor.u32 v17, v28;
	v29 =	vld [tilespmem:s7+$0xFFFFFFF0];
	_ =	sdelay $0x4  }
0x137: {  	[tilespmem:v30+s15+$0x0] =	vst.idx.msk $0xffff, v29  }
0x138: {  	v30 =	vor.u32 v18, v28;
	v29 =	vld [tilespmem:s7+$0x0];
	_ =	sdelay $0x4  }
0x139: {  	[tilespmem:v30+s15+$0x0] =	vst.idx.msk $0xffff, v29  }
0x13a: {  	v30 =	vor.u32 v19, v28;
	v29 =	vld [tilespmem:s7+$0x10];
	_ =	sdelay $0x4  }
0x13b: {  	[tilespmem:v30+s15+$0x0] =	vst.idx.msk $0xffff, v29  }
0x13c: {  	v30 =	vor.u32 v20, v28;
	v29 =	vld [tilespmem:s7+$0x20];
	_ =	sdelay $0x4  }
0x13d: {  	[tilespmem:v30+s15+$0x0] =	vst.idx.msk $0xffff, v29  }
0x13e: {  	v30 =	vor.u32 v21, v28;
	v29 =	vld [tilespmem:s7+$0x30];
	_ =	sdelay $0x4  }
0x13f: {  	[tilespmem:v30+s15+$0x0] =	vst.idx.msk $0xffff, v29  }
0x140: {  	v30 =	vor.u32 v22, v28;
	v29 =	vld [tilespmem:s7+$0x40];
	_ =	sdelay $0x4  }
0x141: {  	[tilespmem:v30+s15+$0x0] =	vst.idx.msk $0xffff, v29  }
0x142: {  	v30 =	vor.u32 v23, v28;
	v29 =	vld [tilespmem:s7+$0x50];
	_ =	sdelay $0x4  }
0x143: {  	[tilespmem:v30+s15+$0x0] =	vst.idx.msk $0xffff, v29  }
0x144: {  	v30 =	vor.u32 v24, v28;
	v29 =	vld [tilespmem:s7+$0x60];
	_ =	sdelay $0x4  }
0x145: {  	[tilespmem:v30+s15+$0x0] =	vst.idx.msk $0xffff, v29  }
0x146: {  	v30 =	vor.u32 v25, v28;
	v29 =	vld [tilespmem:s7+$0x70];
	_ =	sdelay $0x4  }
0x147: {  	[tilespmem:v30+s15+$0x0] =	vst.idx.msk $0xffff, v29  }
0x148: {  	v30 =	vor.u32 v26, v28;
	v29 =	vld [tilespmem:s7+$0x80];
	_ =	sdelay $0x4  }
0x149: {  	[tilespmem:v30+s15+$0x0] =	vst.idx.msk $0xffff, v29  }
0x14a: {  	v28 =	vor.u32 v27, v28;
	v29 =	vld [tilespmem:s7+$0x8C];
	_ =	sdelay $0x2  }
0x14b: {  	s6 =	sor.u32 $0x1, s6  }
0x14c: {  	v30 =	vmov s6  }
0x14d: {  	[tilespmem:v28+s15+$0x0] =	vst.idx.msk vm0, v29;
	v28 =	vand.u32 $0x3F, v30  }
0x14e: {  	[hbm4b:s2+s16] =	stream.indirect.scatter [tilespmem:s15], [sflag:$0x2], $0x80, s17, s16, $0xb8;
	v29 =	vadd.s32 v0, v28;
	[tilespmem:$0x1E2E0] =	vst v63  }
0x14f: {  	_ = 	snop  }
0x150: {  	[hbm4b:s2+s16] =	stream.indirect.scatter [tilespmem:s19], [sflag:$0x2], $0x80, s18, s16, $0xb8;
	[tilespmem:$0x1E2E0] =	vst v63  }
0x151: {  	_ = 	snop  }
0x152: {  	[hbm4b:s2+s20] =	stream.indirect.scatter [tilespmem:s22], [sflag:$0x2], $0x80, s21, s20, $0xb8;
	[tilespmem:$0x1E2E0] =	vst v63  }
0x153: {  	v29 =	vld.idx.msk [tilespmem:v29+s4+$0x0], $0xffff  }
0x154: {  	v30 =	vadd.s32 v1, v28;
	_ =	sdelay $0x3  }
0x155: {  	[tilespmem:$0x1C00] =	vst v29  }
0x156: {  	v29 =	vld.idx.msk [tilespmem:v30+s4+$0x0], $0xffff  }
0x157: {  	v30 =	vadd.s32 v2, v28;
	_ =	sdelay $0x3  }
0x158: {  	[tilespmem:$0x1C10] =	vst v29  }
0x159: {  	v29 =	vld.idx.msk [tilespmem:v30+s4+$0x0], $0xffff  }
0x15a: {  	v30 =	vadd.s32 v3, v28;
	_ =	sdelay $0x3  }
0x15b: {  	[tilespmem:$0x1C20] =	vst v29  }
0x15c: {  	v29 =	vld.idx.msk [tilespmem:v30+s4+$0x0], $0xffff  }
0x15d: {  	v30 =	vadd.s32 v5, v28;
	_ =	sdelay $0x3  }
0x15e: {  	[tilespmem:$0x1C30] =	vst v29  }
0x15f: {  	v29 =	vld.idx.msk [tilespmem:v30+s4+$0x0], $0xffff  }
0x160: {  	v30 =	vadd.s32 v6, v28;
	_ =	sdelay $0x3  }
0x161: {  	[tilespmem:$0x1C40] =	vst v29  }
0x162: {  	v29 =	vld.idx.msk [tilespmem:v30+s4+$0x0], $0xffff  }
0x163: {  	v30 =	vadd.s32 v7, v28;
	_ =	sdelay $0x3  }
0x164: {  	[tilespmem:$0x1C50] =	vst v29  }
0x165: {  	v29 =	vld.idx.msk [tilespmem:v30+s4+$0x0], $0xffff  }
0x166: {  	v28 =	vadd.s32 v8, v28;
	_ =	sdelay $0x3  }
0x167: {  	[tilespmem:$0x1C60] =	vst v29  }
0x168: {  	v28 =	vld.idx.msk [tilespmem:v28+s4+$0x0], $0xffff;
	_ =	sdelay $0x4  }
0x169: {  	[tilespmem:$0x1C70] =	vst v28  }
0x16a: {  	[tilespmem:s11], [sflag:$0x1] =	stream.indirect.gather [hbm4b:s5+s9], $0x130, s10, s9, $0xb8;
	[tilespmem:$0x1E2E0] =	vst v63  }
0x16b: {  	s7 =	simm.s32 @!p0 $0x3  }
0x16c: {  	[tilespmem:s13], [sflag:$0x1] =	stream.indirect.gather [hbm4b:s5+s9], $0x130, s12, s9, $0xb8;
	[tilespmem:$0x1E2E0] =	vst v63  }
0x16d: {  	_ =	swait.ge @!p0 [sflag:s7], $0x4000  }
0x16e: {  	[sflag:s7] =	ssyncset.done @!p0 $0x0  }
0x16f: {  	[sflag:s7] =	ssyncadd.s32 @!p0 $0xFFFFC000  }
0x170: {  	_ =	swait.ge @!p0 [sflag:s7], $0x4000  }
0x171: {  	[sflag:s7] =	ssyncset.done @!p0 $0x0  }
0x172: {  	[sflag:s7] =	ssyncadd.s32 @!p0 $0xFFFFC000  }
0x173: {  	s6 =	sshll.u32 s6, $0x5;
	_ =	swait.ge @!p0 [sflag:s7], $0x1600  }
0x174: {  	s6 =	sor.u32 s3, s6;
	[sflag:s7] =	ssyncset.done @!p0 $0x0  }
0x175: {  	s8 =	sadd.s32 $0x6400, s6;
	v28 =	vadd.s32 s6, v9;
	[sflag:s7] =	ssyncadd.s32 @!p0 $0xFFFFEA00  }
0x176: {  	[tilespmem:$0x1E1B0] =	vst v28;
	v28 =	vadd.s32 s8, v9;
	s8 =	sor.u32 $0xC800, s6  }
0x177: {  	[tilespmem:$0x1E1C0] =	vst v28;
	v28 =	vadd.s32 s8, v9;
	s8 =	sadd.s32 $0x12C00, s6  }
0x178: {  	[tilespmem:$0x1E1D0] =	vst v28;
	v28 =	vadd.s32 s8, v9;
	s8 =	sor.u32 $0x19000, s6  }
0x179: {  	[tilespmem:$0x1E1E0] =	vst v28;
	v28 =	vadd.s32 s8, v9;
	s8 =	sadd.s32 $0x1F400, s6  }
0x17a: {  	[tilespmem:$0x1E1F0] =	vst v28;
	v28 =	vadd.s32 s8, v9;
	s8 =	sor.u32 $0x25800, s6  }
0x17b: {  	[tilespmem:$0x1E200] =	vst v28;
	v28 =	vadd.s32 s8, v9;
	s8 =	sadd.s32 $0x2BC00, s6  }
0x17c: {  	[tilespmem:$0x1E210] =	vst v28;
	v28 =	vadd.s32 s8, v9;
	s8 =	sor.u32 $0x32000, s6  }
0x17d: {  	[tilespmem:$0x1E220] =	vst v28;
	v28 =	vadd.s32 s8, v9;
	s8 =	sadd.s32 $0x38400, s6  }
0x17e: {  	[tilespmem:$0x1E230] =	vst v28;
	v28 =	vadd.s32 s8, v9;
	s8 =	sor.u32 $0x3E800, s6  }
0x17f: {  	[tilespmem:$0x1E240] =	vst v28;
	v28 =	vadd.s32 s8, v9;
	s8 =	sadd.s32 $0x44C00, s6  }
0x180: {  	[tilespmem:$0x1E250] =	vst v28;
	v28 =	vadd.s32 s8, v9;
	s8 =	sor.u32 $0x4B000, s6  }
0x181: {  	[tilespmem:$0x1E260] =	vst v28;
	v28 =	vadd.s32 s8, v9;
	s8 =	sadd.s32 $0x51400, s6  }
0x182: {  	[tilespmem:$0x1E270] =	vst v28;
	v28 =	vadd.s32 s8, v9;
	s8 =	sor.u32 $0x57800, s6  }
0x183: {  	[tilespmem:$0x1E280] =	vst v28;
	v28 =	vadd.s32 s8, v9;
	s8 =	sadd.s32 $0x5DC00, s6  }
0x184: {  	[tilespmem:$0x1E290] =	vst v28;
	v28 =	vadd.s32 s8, v9;
	s8 =	sor.u32 $0x64000, s6  }
0x185: {  	[tilespmem:$0x1E2A0] =	vst v28;
	v28 =	vadd.s32 s8, v9;
	s8 =	sadd.s32 $0x6A400, s6  }
0x186: {  	s6 =	sadd.s32 $0x6EF00, s6;
	[tilespmem:$0x1E2B0] =	vst v28;
	v28 =	vadd.s32 s8, v9  }
0x187: {  	s7 =	simm.s32 $0x0;
	[tilespmem:$0x1E2C0] =	vst v28;
	v28 =	vadd.s32 s6, v9  }
0x188: {  	[tilespmem:$0x1E2CC] =	vst v28;
	v28 =	vmov s7  }
0x189: {  	_ =	swait.ge [sflag:s14], $0x4C00;
	v28 =	vand.u32 $0x3F, v28  }
0x18a: {  	[sflag:s14] =	ssyncset.done $0x0;
	v28 =	vbroadcast v28, $0x0  }
0x18b: {  	s6 =	simm.s32 $0x1D10;
	[sflag:s14] =	ssyncadd.s32 $0xFFFFB400  }
0x18c: {  	v29 =	vld [tilespmem:s6+$0xFFFFFF70];
	v30 =	vor.u32 v4, v28;
	_ =	sdelay $0x4  }
0x18d: {  	[tilespmem:v30+s23+$0x0] =	vst.idx.msk $0xffff, v29  }
0x18e: {  	v30 =	vor.u32 v10, v28;
	v29 =	vld [tilespmem:s6+$0xFFFFFF80];
	_ =	sdelay $0x4  }
0x18f: {  	[tilespmem:v30+s23+$0x0] =	vst.idx.msk $0xffff, v29  }
0x190: {  	v30 =	vor.u32 v11, v28;
	v29 =	vld [tilespmem:s6+$0xFFFFFF90];
	_ =	sdelay $0x4  }
0x191: {  	[tilespmem:v30+s23+$0x0] =	vst.idx.msk $0xffff, v29  }
0x192: {  	v30 =	vor.u32 v12, v28;
	v29 =	vld [tilespmem:s6+$0xFFFFFFA0];
	_ =	sdelay $0x4  }
0x193: {  	[tilespmem:v30+s23+$0x0] =	vst.idx.msk $0xffff, v29  }
0x194: {  	v30 =	vor.u32 v13, v28;
	v29 =	vld [tilespmem:s6+$0xFFFFFFB0];
	_ =	sdelay $0x4  }
0x195: {  	[tilespmem:v30+s23+$0x0] =	vst.idx.msk $0xffff, v29  }
0x196: {  	v30 =	vor.u32 v14, v28;
	v29 =	vld [tilespmem:s6+$0xFFFFFFC0];
	_ =	sdelay $0x4  }
0x197: {  	[tilespmem:v30+s23+$0x0] =	vst.idx.msk $0xffff, v29  }
0x198: {  	v30 =	vor.u32 v15, v28;
	v29 =	vld [tilespmem:s6+$0xFFFFFFD0];
	_ =	sdelay $0x4  }
0x199: {  	[tilespmem:v30+s23+$0x0] =	vst.idx.msk $0xffff, v29  }
0x19a: {  	v30 =	vor.u32 v16, v28;
	v29 =	vld [tilespmem:s6+$0xFFFFFFE0];
	_ =	sdelay $0x4  }
0x19b: {  	[tilespmem:v30+s23+$0x0] =	vst.idx.msk $0xffff, v29  }
0x19c: {  	v30 =	vor.u32 v17, v28;
	v29 =	vld [tilespmem:s6+$0xFFFFFFF0];
	_ =	sdelay $0x4  }
0x19d: {  	[tilespmem:v30+s23+$0x0] =	vst.idx.msk $0xffff, v29  }
0x19e: {  	v30 =	vor.u32 v18, v28;
	v29 =	vld [tilespmem:s6+$0x0];
	_ =	sdelay $0x4  }
0x19f: {  	[tilespmem:v30+s23+$0x0] =	vst.idx.msk $0xffff, v29  }
0x1a0: {  	v30 =	vor.u32 v19, v28;
	v29 =	vld [tilespmem:s6+$0x10];
	_ =	sdelay $0x4  }
0x1a1: {  	[tilespmem:v30+s23+$0x0] =	vst.idx.msk $0xffff, v29  }
0x1a2: {  	v30 =	vor.u32 v20, v28;
	v29 =	vld [tilespmem:s6+$0x20];
	_ =	sdelay $0x4  }
0x1a3: {  	[tilespmem:v30+s23+$0x0] =	vst.idx.msk $0xffff, v29  }
0x1a4: {  	v30 =	vor.u32 v21, v28;
	v29 =	vld [tilespmem:s6+$0x30];
	_ =	sdelay $0x4  }
0x1a5: {  	[tilespmem:v30+s23+$0x0] =	vst.idx.msk $0xffff, v29  }
0x1a6: {  	v30 =	vor.u32 v22, v28;
	v29 =	vld [tilespmem:s6+$0x40];
	_ =	sdelay $0x4  }
0x1a7: {  	[tilespmem:v30+s23+$0x0] =	vst.idx.msk $0xffff, v29  }
0x1a8: {  	v30 =	vor.u32 v23, v28;
	v29 =	vld [tilespmem:s6+$0x50];
	_ =	sdelay $0x4  }
0x1a9: {  	[tilespmem:v30+s23+$0x0] =	vst.idx.msk $0xffff, v29  }
0x1aa: {  	v30 =	vor.u32 v24, v28;
	v29 =	vld [tilespmem:s6+$0x60];
	_ =	sdelay $0x4  }
0x1ab: {  	[tilespmem:v30+s23+$0x0] =	vst.idx.msk $0xffff, v29  }
0x1ac: {  	v30 =	vor.u32 v25, v28;
	v29 =	vld [tilespmem:s6+$0x70];
	_ =	sdelay $0x4  }
0x1ad: {  	[tilespmem:v30+s23+$0x0] =	vst.idx.msk $0xffff, v29  }
0x1ae: {  	v30 =	vor.u32 v26, v28;
	v29 =	vld [tilespmem:s6+$0x80];
	_ =	sdelay $0x4  }
0x1af: {  	[tilespmem:v30+s23+$0x0] =	vst.idx.msk $0xffff, v29  }
0x1b0: {  	v30 =	vor.u32 v27, v28;
	v29 =	vld [tilespmem:s6+$0x8C]  }
0x1b1: {  	s8 =	simm.s32 $0x1  }
0x1b2: {  	s7 =	simm.s32 $0x2;
	v28 =	vmov s8  }
.LBB2_7:
0x1b3: {  	p0 =	sne.s32 s7, $0x3F;
	v28 =	vand.u32 $0x3F, v28  }
0x1b4: {  	v28 =	vbroadcast v28, $0x0  }
0x1b5: {  	s6 =	sadd.s32 $0x130, s6;
	[tilespmem:v30+s23+$0x0] =	vst.idx.msk vm0, v29  }
0x1b6: {  	v29 =	vld [tilespmem:s6+$0xFFFFFF70];
	v30 =	vor.u32 v4, v28;
	_ =	sdelay $0x4  }
0x1b7: {  	[tilespmem:v30+s23+$0x0] =	vst.idx.msk $0xffff, v29  }
0x1b8: {  	v30 =	vor.u32 v10, v28;
	v29 =	vld [tilespmem:s6+$0xFFFFFF80];
	_ =	sdelay $0x4  }
0x1b9: {  	[tilespmem:v30+s23+$0x0] =	vst.idx.msk $0xffff, v29  }
0x1ba: {  	v30 =	vor.u32 v11, v28;
	v29 =	vld [tilespmem:s6+$0xFFFFFF90];
	_ =	sdelay $0x4  }
0x1bb: {  	[tilespmem:v30+s23+$0x0] =	vst.idx.msk $0xffff, v29  }
0x1bc: {  	v30 =	vor.u32 v12, v28;
	v29 =	vld [tilespmem:s6+$0xFFFFFFA0];
	_ =	sdelay $0x4  }
0x1bd: {  	[tilespmem:v30+s23+$0x0] =	vst.idx.msk $0xffff, v29  }
0x1be: {  	v30 =	vor.u32 v13, v28;
	v29 =	vld [tilespmem:s6+$0xFFFFFFB0];
	_ =	sdelay $0x4  }
0x1bf: {  	[tilespmem:v30+s23+$0x0] =	vst.idx.msk $0xffff, v29  }
0x1c0: {  	v30 =	vor.u32 v14, v28;
	v29 =	vld [tilespmem:s6+$0xFFFFFFC0];
	_ =	sdelay $0x4  }
0x1c1: {  	[tilespmem:v30+s23+$0x0] =	vst.idx.msk $0xffff, v29  }
0x1c2: {  	v30 =	vor.u32 v15, v28;
	v29 =	vld [tilespmem:s6+$0xFFFFFFD0];
	_ =	sdelay $0x4  }
0x1c3: {  	[tilespmem:v30+s23+$0x0] =	vst.idx.msk $0xffff, v29  }
0x1c4: {  	v30 =	vor.u32 v16, v28;
	v29 =	vld [tilespmem:s6+$0xFFFFFFE0];
	_ =	sdelay $0x4  }
0x1c5: {  	[tilespmem:v30+s23+$0x0] =	vst.idx.msk $0xffff, v29  }
0x1c6: {  	v30 =	vor.u32 v17, v28;
	v29 =	vld [tilespmem:s6+$0xFFFFFFF0];
	_ =	sdelay $0x4  }
0x1c7: {  	[tilespmem:v30+s23+$0x0] =	vst.idx.msk $0xffff, v29  }
0x1c8: {  	v30 =	vor.u32 v18, v28;
	v29 =	vld [tilespmem:s6+$0x0];
	_ =	sdelay $0x4  }
0x1c9: {  	[tilespmem:v30+s23+$0x0] =	vst.idx.msk $0xffff, v29  }
0x1ca: {  	v30 =	vor.u32 v19, v28;
	v29 =	vld [tilespmem:s6+$0x10];
	_ =	sdelay $0x4  }
0x1cb: {  	[tilespmem:v30+s23+$0x0] =	vst.idx.msk $0xffff, v29  }
0x1cc: {  	v30 =	vor.u32 v20, v28;
	v29 =	vld [tilespmem:s6+$0x20];
	_ =	sdelay $0x4  }
0x1cd: {  	[tilespmem:v30+s23+$0x0] =	vst.idx.msk $0xffff, v29  }
0x1ce: {  	v30 =	vor.u32 v21, v28;
	v29 =	vld [tilespmem:s6+$0x30];
	_ =	sdelay $0x4  }
0x1cf: {  	[tilespmem:v30+s23+$0x0] =	vst.idx.msk $0xffff, v29  }
0x1d0: {  	v30 =	vor.u32 v22, v28;
	v29 =	vld [tilespmem:s6+$0x40];
	_ =	sdelay $0x4  }
0x1d1: {  	[tilespmem:v30+s23+$0x0] =	vst.idx.msk $0xffff, v29  }
0x1d2: {  	v30 =	vor.u32 v23, v28;
	v29 =	vld [tilespmem:s6+$0x50];
	_ =	sdelay $0x4  }
0x1d3: {  	[tilespmem:v30+s23+$0x0] =	vst.idx.msk $0xffff, v29  }
0x1d4: {  	v30 =	vor.u32 v24, v28;
	v29 =	vld [tilespmem:s6+$0x60];
	_ =	sdelay $0x4  }
0x1d5: {  	[tilespmem:v30+s23+$0x0] =	vst.idx.msk $0xffff, v29  }
0x1d6: {  	v30 =	vor.u32 v25, v28;
	v29 =	vld [tilespmem:s6+$0x70];
	_ =	sdelay $0x4  }
0x1d7: {  	[tilespmem:v30+s23+$0x0] =	vst.idx.msk $0xffff, v29  }
0x1d8: {  	v30 =	vor.u32 v26, v28;
	v29 =	vld [tilespmem:s6+$0x80];
	_ =	sdelay $0x3  }
.Ltmp2:
0x1d9: {  	(pc) =	sbr.rel @p0 .LBB2_7-.Ltmp2, $3  }
0x1da: {  	[tilespmem:v30+s23+$0x0] =	vst.idx.msk $0xffff, v29  }
0x1db: {  	v30 =	vor.u32 v27, v28;
	v29 =	vld [tilespmem:s6+$0x8C];
	_ =	sdelay $0x1  }
0x1dc: {  	v28 =	vmov s7;
	s7 =	sadd.s32 $0x1, s7  }
0x1dd: {  	_ =	sdelay $0x2  }
0x1de: {  	v28 =	vand.u32 $0x3F, v28  }
0x1df: {  	v28 =	vbroadcast v28, $0x0  }
0x1e0: {  	s6 =	sadd.s32 $0x130, s6;
	[tilespmem:v30+s23+$0x0] =	vst.idx.msk vm0, v29  }
0x1e1: {  	v29 =	vld [tilespmem:s6+$0xFFFFFF70];
	v30 =	vor.u32 v4, v28;
	_ =	sdelay $0x4  }
0x1e2: {  	[tilespmem:v30+s23+$0x0] =	vst.idx.msk $0xffff, v29  }
0x1e3: {  	v30 =	vor.u32 v10, v28;
	v29 =	vld [tilespmem:s6+$0xFFFFFF80];
	_ =	sdelay $0x4  }
0x1e4: {  	[tilespmem:v30+s23+$0x0] =	vst.idx.msk $0xffff, v29  }
0x1e5: {  	v30 =	vor.u32 v11, v28;
	v29 =	vld [tilespmem:s6+$0xFFFFFF90];
	_ =	sdelay $0x4  }
0x1e6: {  	[tilespmem:v30+s23+$0x0] =	vst.idx.msk $0xffff, v29  }
0x1e7: {  	v30 =	vor.u32 v12, v28;
	v29 =	vld [tilespmem:s6+$0xFFFFFFA0];
	_ =	sdelay $0x4  }
0x1e8: {  	[tilespmem:v30+s23+$0x0] =	vst.idx.msk $0xffff, v29  }
0x1e9: {  	v30 =	vor.u32 v13, v28;
	v29 =	vld [tilespmem:s6+$0xFFFFFFB0];
	_ =	sdelay $0x4  }
0x1ea: {  	[tilespmem:v30+s23+$0x0] =	vst.idx.msk $0xffff, v29  }
0x1eb: {  	v30 =	vor.u32 v14, v28;
	v29 =	vld [tilespmem:s6+$0xFFFFFFC0];
	_ =	sdelay $0x4  }
0x1ec: {  	[tilespmem:v30+s23+$0x0] =	vst.idx.msk $0xffff, v29  }
0x1ed: {  	v30 =	vor.u32 v15, v28;
	v29 =	vld [tilespmem:s6+$0xFFFFFFD0];
	_ =	sdelay $0x4  }
0x1ee: {  	[tilespmem:v30+s23+$0x0] =	vst.idx.msk $0xffff, v29  }
0x1ef: {  	v30 =	vor.u32 v16, v28;
	v29 =	vld [tilespmem:s6+$0xFFFFFFE0];
	_ =	sdelay $0x4  }
0x1f0: {  	[tilespmem:v30+s23+$0x0] =	vst.idx.msk $0xffff, v29  }
0x1f1: {  	v30 =	vor.u32 v17, v28;
	v29 =	vld [tilespmem:s6+$0xFFFFFFF0];
	_ =	sdelay $0x4  }
0x1f2: {  	[tilespmem:v30+s23+$0x0] =	vst.idx.msk $0xffff, v29  }
0x1f3: {  	v30 =	vor.u32 v18, v28;
	v29 =	vld [tilespmem:s6+$0x0];
	_ =	sdelay $0x4  }
0x1f4: {  	[tilespmem:v30+s23+$0x0] =	vst.idx.msk $0xffff, v29  }
0x1f5: {  	v30 =	vor.u32 v19, v28;
	v29 =	vld [tilespmem:s6+$0x10];
	_ =	sdelay $0x4  }
0x1f6: {  	[tilespmem:v30+s23+$0x0] =	vst.idx.msk $0xffff, v29  }
0x1f7: {  	v30 =	vor.u32 v20, v28;
	v29 =	vld [tilespmem:s6+$0x20];
	_ =	sdelay $0x4  }
0x1f8: {  	[tilespmem:v30+s23+$0x0] =	vst.idx.msk $0xffff, v29  }
0x1f9: {  	v30 =	vor.u32 v21, v28;
	v29 =	vld [tilespmem:s6+$0x30];
	_ =	sdelay $0x4  }
0x1fa: {  	[tilespmem:v30+s23+$0x0] =	vst.idx.msk $0xffff, v29  }
0x1fb: {  	v30 =	vor.u32 v22, v28;
	v29 =	vld [tilespmem:s6+$0x40];
	_ =	sdelay $0x4  }
0x1fc: {  	[tilespmem:v30+s23+$0x0] =	vst.idx.msk $0xffff, v29  }
0x1fd: {  	v30 =	vor.u32 v23, v28;
	v29 =	vld [tilespmem:s6+$0x50];
	_ =	sdelay $0x4  }
0x1fe: {  	[tilespmem:v30+s23+$0x0] =	vst.idx.msk $0xffff, v29  }
0x1ff: {  	v30 =	vor.u32 v24, v28;
	v29 =	vld [tilespmem:s6+$0x60];
	_ =	sdelay $0x4  }
0x200: {  	[tilespmem:v30+s23+$0x0] =	vst.idx.msk $0xffff, v29  }
0x201: {  	v30 =	vor.u32 v25, v28;
	v29 =	vld [tilespmem:s6+$0x70];
	_ =	sdelay $0x4  }
0x202: {  	[tilespmem:v30+s23+$0x0] =	vst.idx.msk $0xffff, v29  }
0x203: {  	v30 =	vor.u32 v26, v28;
	v29 =	vld [tilespmem:s6+$0x80];
	_ =	sdelay $0x4  }
0x204: {  	[tilespmem:v30+s23+$0x0] =	vst.idx.msk $0xffff, v29  }
0x205: {  	v28 =	vor.u32 v27, v28;
	v29 =	vld [tilespmem:s6+$0x8C];
	_ =	sdelay $0x3  }
0x206: {  	s8 =	simm.s32 $0x40  }
0x207: {  	[tilespmem:v28+s23+$0x0] =	vst.idx.msk vm0, v29;
	v28 =	vmov s8  }
0x208: {  	_ =	swait.ge [sflag:s14], $0x4C00;
	v28 =	vand.u32 $0x7F, v28  }
0x209: {  	[sflag:s14] =	ssyncset.done $0x0;
	v28 =	vbroadcast v28, $0x0  }
0x20a: {  	s6 =	simm.s32 $0x6910;
	[sflag:s14] =	ssyncadd.s32 $0xFFFFB400  }
0x20b: {  	v29 =	vld [tilespmem:s6+$0xFFFFFF70];
	v30 =	vor.u32 v4, v28;
	_ =	sdelay $0x4  }
0x20c: {  	[tilespmem:v30+s23+$0x0] =	vst.idx.msk $0xffff, v29  }
0x20d: {  	v30 =	vor.u32 v10, v28;
	v29 =	vld [tilespmem:s6+$0xFFFFFF80];
	_ =	sdelay $0x4  }
0x20e: {  	[tilespmem:v30+s23+$0x0] =	vst.idx.msk $0xffff, v29  }
0x20f: {  	v30 =	vor.u32 v11, v28;
	v29 =	vld [tilespmem:s6+$0xFFFFFF90];
	_ =	sdelay $0x4  }
0x210: {  	[tilespmem:v30+s23+$0x0] =	vst.idx.msk $0xffff, v29  }
0x211: {  	v30 =	vor.u32 v12, v28;
	v29 =	vld [tilespmem:s6+$0xFFFFFFA0];
	_ =	sdelay $0x4  }
0x212: {  	[tilespmem:v30+s23+$0x0] =	vst.idx.msk $0xffff, v29  }
0x213: {  	v30 =	vor.u32 v13, v28;
	v29 =	vld [tilespmem:s6+$0xFFFFFFB0];
	_ =	sdelay $0x4  }
0x214: {  	[tilespmem:v30+s23+$0x0] =	vst.idx.msk $0xffff, v29  }
0x215: {  	v30 =	vor.u32 v14, v28;
	v29 =	vld [tilespmem:s6+$0xFFFFFFC0];
	_ =	sdelay $0x4  }
0x216: {  	[tilespmem:v30+s23+$0x0] =	vst.idx.msk $0xffff, v29  }
0x217: {  	v30 =	vor.u32 v15, v28;
	v29 =	vld [tilespmem:s6+$0xFFFFFFD0];
	_ =	sdelay $0x4  }
0x218: {  	[tilespmem:v30+s23+$0x0] =	vst.idx.msk $0xffff, v29  }
0x219: {  	v30 =	vor.u32 v16, v28;
	v29 =	vld [tilespmem:s6+$0xFFFFFFE0];
	_ =	sdelay $0x4  }
0x21a: {  	[tilespmem:v30+s23+$0x0] =	vst.idx.msk $0xffff, v29  }
0x21b: {  	v30 =	vor.u32 v17, v28;
	v29 =	vld [tilespmem:s6+$0xFFFFFFF0];
	_ =	sdelay $0x4  }
0x21c: {  	[tilespmem:v30+s23+$0x0] =	vst.idx.msk $0xffff, v29  }
0x21d: {  	v30 =	vor.u32 v18, v28;
	v29 =	vld [tilespmem:s6+$0x0];
	_ =	sdelay $0x4  }
0x21e: {  	[tilespmem:v30+s23+$0x0] =	vst.idx.msk $0xffff, v29  }
0x21f: {  	v30 =	vor.u32 v19, v28;
	v29 =	vld [tilespmem:s6+$0x10];
	_ =	sdelay $0x4  }
0x220: {  	[tilespmem:v30+s23+$0x0] =	vst.idx.msk $0xffff, v29  }
0x221: {  	v30 =	vor.u32 v20, v28;
	v29 =	vld [tilespmem:s6+$0x20];
	_ =	sdelay $0x4  }
0x222: {  	[tilespmem:v30+s23+$0x0] =	vst.idx.msk $0xffff, v29  }
0x223: {  	v30 =	vor.u32 v21, v28;
	v29 =	vld [tilespmem:s6+$0x30];
	_ =	sdelay $0x4  }
0x224: {  	[tilespmem:v30+s23+$0x0] =	vst.idx.msk $0xffff, v29  }
0x225: {  	v30 =	vor.u32 v22, v28;
	v29 =	vld [tilespmem:s6+$0x40];
	_ =	sdelay $0x4  }
0x226: {  	[tilespmem:v30+s23+$0x0] =	vst.idx.msk $0xffff, v29  }
0x227: {  	v30 =	vor.u32 v23, v28;
	v29 =	vld [tilespmem:s6+$0x50];
	_ =	sdelay $0x4  }
0x228: {  	[tilespmem:v30+s23+$0x0] =	vst.idx.msk $0xffff, v29  }
0x229: {  	v30 =	vor.u32 v24, v28;
	v29 =	vld [tilespmem:s6+$0x60];
	_ =	sdelay $0x4  }
0x22a: {  	[tilespmem:v30+s23+$0x0] =	vst.idx.msk $0xffff, v29  }
0x22b: {  	v30 =	vor.u32 v25, v28;
	v29 =	vld [tilespmem:s6+$0x70];
	_ =	sdelay $0x4  }
0x22c: {  	[tilespmem:v30+s23+$0x0] =	vst.idx.msk $0xffff, v29  }
0x22d: {  	v30 =	vor.u32 v26, v28;
	v29 =	vld [tilespmem:s6+$0x80];
	_ =	sdelay $0x4  }
0x22e: {  	[tilespmem:v30+s23+$0x0] =	vst.idx.msk $0xffff, v29  }
0x22f: {  	v30 =	vor.u32 v27, v28;
	v29 =	vld [tilespmem:s6+$0x8C]  }
0x230: {  	s7 =	simm.s32 $0x41  }
0x231: {  	v28 =	vmov s7;
	s7 =	simm.s32 $0x42  }
.LBB2_9:
0x232: {  	p0 =	sne.s32 s7, $0x7F;
	v28 =	vand.u32 $0x7F, v28  }
0x233: {  	v28 =	vbroadcast v28, $0x0  }
0x234: {  	s6 =	sadd.s32 $0x130, s6;
	[tilespmem:v30+s23+$0x0] =	vst.idx.msk vm0, v29  }
0x235: {  	v29 =	vld [tilespmem:s6+$0xFFFFFF70];
	v30 =	vor.u32 v4, v28;
	_ =	sdelay $0x4  }
0x236: {  	[tilespmem:v30+s23+$0x0] =	vst.idx.msk $0xffff, v29  }
0x237: {  	v30 =	vor.u32 v10, v28;
	v29 =	vld [tilespmem:s6+$0xFFFFFF80];
	_ =	sdelay $0x4  }
0x238: {  	[tilespmem:v30+s23+$0x0] =	vst.idx.msk $0xffff, v29  }
0x239: {  	v30 =	vor.u32 v11, v28;
	v29 =	vld [tilespmem:s6+$0xFFFFFF90];
	_ =	sdelay $0x4  }
0x23a: {  	[tilespmem:v30+s23+$0x0] =	vst.idx.msk $0xffff, v29  }
0x23b: {  	v30 =	vor.u32 v12, v28;
	v29 =	vld [tilespmem:s6+$0xFFFFFFA0];
	_ =	sdelay $0x4  }
0x23c: {  	[tilespmem:v30+s23+$0x0] =	vst.idx.msk $0xffff, v29  }
0x23d: {  	v30 =	vor.u32 v13, v28;
	v29 =	vld [tilespmem:s6+$0xFFFFFFB0];
	_ =	sdelay $0x4  }
0x23e: {  	[tilespmem:v30+s23+$0x0] =	vst.idx.msk $0xffff, v29  }
0x23f: {  	v30 =	vor.u32 v14, v28;
	v29 =	vld [tilespmem:s6+$0xFFFFFFC0];
	_ =	sdelay $0x4  }
0x240: {  	[tilespmem:v30+s23+$0x0] =	vst.idx.msk $0xffff, v29  }
0x241: {  	v30 =	vor.u32 v15, v28;
	v29 =	vld [tilespmem:s6+$0xFFFFFFD0];
	_ =	sdelay $0x4  }
0x242: {  	[tilespmem:v30+s23+$0x0] =	vst.idx.msk $0xffff, v29  }
0x243: {  	v30 =	vor.u32 v16, v28;
	v29 =	vld [tilespmem:s6+$0xFFFFFFE0];
	_ =	sdelay $0x4  }
0x244: {  	[tilespmem:v30+s23+$0x0] =	vst.idx.msk $0xffff, v29  }
0x245: {  	v30 =	vor.u32 v17, v28;
	v29 =	vld [tilespmem:s6+$0xFFFFFFF0];
	_ =	sdelay $0x4  }
0x246: {  	[tilespmem:v30+s23+$0x0] =	vst.idx.msk $0xffff, v29  }
0x247: {  	v30 =	vor.u32 v18, v28;
	v29 =	vld [tilespmem:s6+$0x0];
	_ =	sdelay $0x4  }
0x248: {  	[tilespmem:v30+s23+$0x0] =	vst.idx.msk $0xffff, v29  }
0x249: {  	v30 =	vor.u32 v19, v28;
	v29 =	vld [tilespmem:s6+$0x10];
	_ =	sdelay $0x4  }
0x24a: {  	[tilespmem:v30+s23+$0x0] =	vst.idx.msk $0xffff, v29  }
0x24b: {  	v30 =	vor.u32 v20, v28;
	v29 =	vld [tilespmem:s6+$0x20];
	_ =	sdelay $0x4  }
0x24c: {  	[tilespmem:v30+s23+$0x0] =	vst.idx.msk $0xffff, v29  }
0x24d: {  	v30 =	vor.u32 v21, v28;
	v29 =	vld [tilespmem:s6+$0x30];
	_ =	sdelay $0x4  }
0x24e: {  	[tilespmem:v30+s23+$0x0] =	vst.idx.msk $0xffff, v29  }
0x24f: {  	v30 =	vor.u32 v22, v28;
	v29 =	vld [tilespmem:s6+$0x40];
	_ =	sdelay $0x4  }
0x250: {  	[tilespmem:v30+s23+$0x0] =	vst.idx.msk $0xffff, v29  }
0x251: {  	v30 =	vor.u32 v23, v28;
	v29 =	vld [tilespmem:s6+$0x50];
	_ =	sdelay $0x4  }
0x252: {  	[tilespmem:v30+s23+$0x0] =	vst.idx.msk $0xffff, v29  }
0x253: {  	v30 =	vor.u32 v24, v28;
	v29 =	vld [tilespmem:s6+$0x60];
	_ =	sdelay $0x4  }
0x254: {  	[tilespmem:v30+s23+$0x0] =	vst.idx.msk $0xffff, v29  }
0x255: {  	v30 =	vor.u32 v25, v28;
	v29 =	vld [tilespmem:s6+$0x70];
	_ =	sdelay $0x4  }
0x256: {  	[tilespmem:v30+s23+$0x0] =	vst.idx.msk $0xffff, v29  }
0x257: {  	v30 =	vor.u32 v26, v28;
	v29 =	vld [tilespmem:s6+$0x80];
	_ =	sdelay $0x3  }
.Ltmp3:
0x258: {  	(pc) =	sbr.rel @p0 .LBB2_9-.Ltmp3, $3  }
0x259: {  	[tilespmem:v30+s23+$0x0] =	vst.idx.msk $0xffff, v29  }
0x25a: {  	v30 =	vor.u32 v27, v28;
	v29 =	vld [tilespmem:s6+$0x8C];
	_ =	sdelay $0x1  }
0x25b: {  	v28 =	vmov s7;
	s7 =	sadd.s32 $0x1, s7  }
0x25c: {  	_ =	sdelay $0x2  }
0x25d: {  	v28 =	vand.u32 $0x7F, v28  }
0x25e: {  	v28 =	vbroadcast v28, $0x0  }
0x25f: {  	s6 =	sadd.s32 $0x130, s6;
	[tilespmem:v30+s23+$0x0] =	vst.idx.msk vm0, v29  }
0x260: {  	v29 =	vld [tilespmem:s6+$0xFFFFFF70];
	v46 =	vor.u32 v4, v28;
	_ =	sdelay $0x4  }
0x261: {  	[tilespmem:v46+s23+$0x0] =	vst.idx.msk $0xffff, v29  }
0x262: {  	v47 =	vor.u32 v10, v28;
	v29 =	vld [tilespmem:s6+$0xFFFFFF80];
	_ =	sdelay $0x4  }
0x263: {  	[tilespmem:v47+s23+$0x0] =	vst.idx.msk $0xffff, v29  }
0x264: {  	v48 =	vor.u32 v11, v28;
	v29 =	vld [tilespmem:s6+$0xFFFFFF90];
	_ =	sdelay $0x4  }
0x265: {  	[tilespmem:v48+s23+$0x0] =	vst.idx.msk $0xffff, v29  }
0x266: {  	v49 =	vor.u32 v12, v28;
	v29 =	vld [tilespmem:s6+$0xFFFFFFA0];
	_ =	sdelay $0x4  }
0x267: {  	[tilespmem:v49+s23+$0x0] =	vst.idx.msk $0xffff, v29  }
0x268: {  	v50 =	vor.u32 v13, v28;
	v29 =	vld [tilespmem:s6+$0xFFFFFFB0];
	_ =	sdelay $0x4  }
0x269: {  	[tilespmem:v50+s23+$0x0] =	vst.idx.msk $0xffff, v29  }
0x26a: {  	v51 =	vor.u32 v14, v28;
	v29 =	vld [tilespmem:s6+$0xFFFFFFC0];
	_ =	sdelay $0x4  }
0x26b: {  	[tilespmem:v51+s23+$0x0] =	vst.idx.msk $0xffff, v29  }
0x26c: {  	v52 =	vor.u32 v15, v28;
	v29 =	vld [tilespmem:s6+$0xFFFFFFD0];
	_ =	sdelay $0x4  }
0x26d: {  	[tilespmem:v52+s23+$0x0] =	vst.idx.msk $0xffff, v29  }
0x26e: {  	v53 =	vor.u32 v16, v28;
	v29 =	vld [tilespmem:s6+$0xFFFFFFE0];
	_ =	sdelay $0x4  }
0x26f: {  	[tilespmem:v53+s23+$0x0] =	vst.idx.msk $0xffff, v29  }
0x270: {  	v54 =	vor.u32 v17, v28;
	v29 =	vld [tilespmem:s6+$0xFFFFFFF0];
	_ =	sdelay $0x4  }
0x271: {  	[tilespmem:v54+s23+$0x0] =	vst.idx.msk $0xffff, v29  }
0x272: {  	v55 =	vor.u32 v18, v28;
	v29 =	vld [tilespmem:s6+$0x0];
	_ =	sdelay $0x4  }
0x273: {  	[tilespmem:v55+s23+$0x0] =	vst.idx.msk $0xffff, v29  }
0x274: {  	v56 =	vor.u32 v19, v28;
	v29 =	vld [tilespmem:s6+$0x10];
	_ =	sdelay $0x4  }
0x275: {  	[tilespmem:v56+s23+$0x0] =	vst.idx.msk $0xffff, v29  }
0x276: {  	v57 =	vor.u32 v20, v28;
	v29 =	vld [tilespmem:s6+$0x20];
	_ =	sdelay $0x4  }
0x277: {  	[tilespmem:v57+s23+$0x0] =	vst.idx.msk $0xffff, v29  }
0x278: {  	v58 =	vor.u32 v21, v28;
	v29 =	vld [tilespmem:s6+$0x30];
	_ =	sdelay $0x4  }
0x279: {  	[tilespmem:v58+s23+$0x0] =	vst.idx.msk $0xffff, v29  }
0x27a: {  	v59 =	vor.u32 v22, v28;
	v29 =	vld [tilespmem:s6+$0x40];
	_ =	sdelay $0x4  }
0x27b: {  	[tilespmem:v59+s23+$0x0] =	vst.idx.msk $0xffff, v29  }
0x27c: {  	v60 =	vor.u32 v23, v28;
	v29 =	vld [tilespmem:s6+$0x50];
	_ =	sdelay $0x4  }
0x27d: {  	[tilespmem:v60+s23+$0x0] =	vst.idx.msk $0xffff, v29  }
0x27e: {  	v61 =	vor.u32 v24, v28;
	v29 =	vld [tilespmem:s6+$0x60];
	_ =	sdelay $0x4  }
0x27f: {  	[tilespmem:v61+s23+$0x0] =	vst.idx.msk $0xffff, v29  }
0x280: {  	v62 =	vor.u32 v25, v28;
	v29 =	vld [tilespmem:s6+$0x70];
	_ =	sdelay $0x4  }
0x281: {  	[tilespmem:v62+s23+$0x0] =	vst.idx.msk $0xffff, v29  }
0x282: {  	v63 =	vor.u32 v26, v28;
	v29 =	vld [tilespmem:s6+$0x80];
	_ =	sdelay $0x4  }
0x283: {  	[tilespmem:v63+s23+$0x0] =	vst.idx.msk $0xffff, v29  }
0x284: {  	v28 =	vor.u32 v27, v28;
	v29 =	vld [tilespmem:s6+$0x8C];
	_ =	sdelay $0x3  }
0x285: {  	s0 =	sadd.s32 $0x1, s0  }
0x286: {  	p0 =	sne.s32 s0, $0x19;
	[tilespmem:v28+s23+$0x0] =	vst.idx.msk vm0, v29  }
0x287: {  	[hbm4b:s2+s16] =	stream.indirect.scatter [tilespmem:s23], [sflag:$0x3], $0x80, s24, s16, $0xb8;
	[tilespmem:$0x1E2E0] =	vst v63  }
.Ltmp4:
0x288: {  	_ = 	snop;
	(pc) =	sbr.rel @p0 .LBB2_2-.Ltmp4, $4  }
0x289: {  	_ = 	snop  }
0x28a: {  	[hbm4b:s2+s16] =	stream.indirect.scatter [tilespmem:s26], [sflag:$0x3], $0x80, s25, s16, $0xb8;
	[tilespmem:$0x1E2E0] =	vst v63  }
0x28b: {  	_ = 	snop  }
0x28c: {  	[hbm4b:s2+s20] =	stream.indirect.scatter [tilespmem:s29], [sflag:$0x3], $0x80, s28, s20, $0xb8;
	[tilespmem:$0x1E2E0] =	vst v63  }
0x28d: {  	_ =	swait.ge [sflag:s30], $0x4000  }
0x28e: {  	[sflag:s30] =	ssyncset.done $0x0  }
0x28f: {  	[sflag:s30] =	ssyncadd.s32 $0xFFFFC000  }
0x290: {  	_ =	swait.ge [sflag:s30], $0x4000  }
0x291: {  	[sflag:s30] =	ssyncset.done $0x0  }
0x292: {  	[sflag:s30] =	ssyncadd.s32 $0xFFFFC000  }
0x293: {  	_ =	swait.ge [sflag:s30], $0x1600  }
0x294: {  	[sflag:s30] =	ssyncset.done $0x0  }
0x295: {  	[sflag:s30] =	ssyncadd.s32 $0xFFFFEA00  }
0x296: {  	_ =	swait.ge [sflag:s31], $0x4000  }
0x297: {  	[sflag:s31] =	ssyncset.done $0x0  }
0x298: {  	[sflag:s31] =	ssyncadd.s32 $0xFFFFC000  }
0x299: {  	_ =	swait.ge [sflag:s31], $0x4000  }
0x29a: {  	[sflag:s31] =	ssyncset.done $0x0  }
0x29b: {  	[sflag:s31] =	ssyncadd.s32 $0xFFFFC000  }
0x29c: {  	_ =	swait.ge [sflag:s31], $0x1600  }
0x29d: {  	s1 =	sadd.s32 $0x1, s1;
	s0 =	rddreg [dreg:$0x4]  }
0x29e: {  	p0 =	sne.s32 s1, s0  }
.Ltmp5:
0x29f: {  	_ = 	snop;
	(pc) =	sbr.rel @p0 .LBB2_1-.Ltmp5, $3  }
0x2a0: {  	_ =	sdelay $0x1  }
0x2a1: {  	[sflag:s31] =	ssyncset.done $0x0  }
0x2a2: {  	[sflag:s31] =	ssyncadd.s32 $0xFFFFEA00  }
0x2a3: {  	_ =	sfence.sel $0x180000  }
0x2a4: {  	[bflag:$0x0] =	sbarrier.arrive $0xFFFF  }
0x2a5: {  	_ =	strace $0x90000047  }
0x2a6: {  	s0 =	stileid.u32;
	[bflag:$0x2] =	sbarrier.arrive $0xFFFF  }
0x2a7: {  	p0 =	sne.s32 s0, $0x0;
	s0 =	rddreg [dreg:$0x2]  }
0x2a8: {  	s0 =	sadd.s32 @!p0 $0x100000, s0  }
0x2a9: {  	[sflag:s0] =	ssyncadd.tile.s32 @!p0 $0x1;
	_ =	shalt  }
.Lfunc_end2:
_tile_overlayer_lowered:
.L_overlay_start_2:
0x2aa: {  	(tag) =	ssettag $0x2  }
0x2ab: {  	s0 =	rddreg [dreg:$0x0];
	s2 =	stileid.u32  }
0x2ac: {  	s1 =	rddreg [dreg:$0x1];
	p0 =	sne.s32 s2, $0x0  }
0x2ad: {  	s3 =	rddreg [dreg:$0x2];
	[bflag:$0x3] =	sbarrier.arrive $0xFFFF;
	s2 =	simm.s32 @!p0 $0x1C04  }
0x2ae: {  	[timem:s3], [sflag:s2] =	dma.local @!p0 [hbm:s0], s1  }
0x2af: {  	s0 =	simm.s32 @!p0 $0x4  }
0x2b0: {  	_ =	swait.ge @!p0 [sflag:s0], s1  }
0x2b1: {  	s1 =	ssub.s32 @!p0 $0x0, s1;
	[sflag:s0] =	ssyncset.done @!p0 $0x0  }
0x2b2: {  	[sflag:s0] =	ssyncadd.s32 @!p0 s1  }
0x2b3: {  	[bflag:$0x3] =	sbarrier.arrive $0xFFFF  }
0x2b4: {  	_ =	shalt  }

</sc_bundles>
